<compile_context>
chip_gen: v7x
topology: tpu7x:2x2x1
jax: 0.10.2.dev20260603
libtpu: 0.0.44.dev20260713+nightly
codegen_flags: <defaults>
</compile_context>

<pallas_src>
import functools
import math

import jax
import jax.numpy as jnp
from jax import lax
from jax.experimental import pallas as pl
from jax.experimental.pallas import tpu as pltpu
from jax.experimental.pallas import tpu_sc as plsc

N_VOCAB = 100000
MAX_LENGTH = 4096
OUT_DIM = 128


@functools.cache
def _build(batch, seq, dim):
    info = plsc.get_sparse_core_info()
    nc, ns, lanes = info.num_cores, info.num_subcores, info.num_lanes
    nw = nc * ns
    assert seq % nw == 0 and dim % lanes == 0
    ppw = seq // nw
    n_chunks = dim // lanes
    pairs = lanes // 2
    rho = math.pow(10000.0, -2.0 / dim)

    mesh = plsc.VectorSubcoreMesh(core_axis_name="c", subcore_axis_name="s")

    @functools.partial(
        pl.kernel,
        mesh=mesh,
        out_type=jax.ShapeDtypeStruct((batch, seq, dim), jnp.float32),
        scratch_types=[
            pltpu.VMEM((batch, ppw), jnp.int32),
            pltpu.VMEM((ppw, dim), jnp.float32),
            pltpu.VMEM((2, ppw, dim), jnp.float32),
            pltpu.SemaphoreType.DMA,
            pltpu.SemaphoreType.DMA,
        ],
    )
    def emb(idx_hbm, table_hbm, out_hbm, idx_v, pe_v, rows_v, gsem, ssem):
        wid = lax.axis_index("s") * nc + lax.axis_index("c")
        pos0 = wid * ppw

        pltpu.sync_copy(idx_hbm.at[:, pl.ds(pos0, ppw)], idx_v)
        gathers = [None] * batch
        gathers[0] = pltpu.async_copy(
            table_hbm.at[idx_v.at[0]], rows_v.at[0], gsem
        )

        iota = lax.iota(jnp.int32, lanes)
        j = iota >> 1
        powvec = jnp.float32(rho ** (pairs - 1))
        for jj in range(pairs - 2, -1, -1):
            powvec = jnp.where(j == jj, jnp.float32(rho ** jj), powvec)
        sign = (1 - 2 * (iota & 1)).astype(jnp.float32)

        def chunk(c):
            return pl.ds(c * lanes, lanes)

        n_chains = 4
        x0 = jnp.where((iota & 1) == 1, jnp.float32(1.0), jnp.float32(0.0))
        y0 = 1.0 - x0
        ff_bits = max(1, (nw - 1).bit_length())
        rho_chunk = jnp.float32(rho ** pairs)

        def chunk_body(c, theta):
            t2 = theta * theta
            s = jnp.float32(1.0 / 362880)
            for coef in (-1.0 / 5040, 1.0 / 120, -1.0 / 6, 1.0):
                s = s * t2 + jnp.float32(coef)
            sinv = theta * s
            v = jnp.float32(1.0 / 3628800)
            for coef in (-1.0 / 40320, 1.0 / 720, -1.0 / 24, 0.5):
                v = v * t2 + jnp.float32(coef)
            v = v * t2
            cc1 = 1.0 - v
            ss1 = sinv * sign

            dbl = {}
            ds, dv = ss1, v
            for i in range(1, (ppw * (2 ** (ff_bits - 1))).bit_length()):
                ds, dv = 2.0 * ds - 2.0 * (ds * dv), 2.0 * (ds * ds)
                dbl[1 << i] = (ds, dv)

            x, y = x0, y0
            for j in range(ff_bits):
                ssj, vvj = dbl[ppw << j]
                xr = x - x * vvj + y * ssj
                yr = y - y * vvj - x * ssj
                bit = ((wid >> j) & 1) == 1
                x = jnp.where(bit, xr, x)
                y = jnp.where(bit, yr, y)

            hx, hy = [x], [y]
            for _ in range(n_chains - 1):
                px, py = hx[-1], hy[-1]
                hx.append(px * cc1 + py * ss1)
                hy.append(py * cc1 - px * ss1)

            ss4, vv4 = dbl[n_chains]
            cc4 = 1.0 - vv4

            def gen(t, carry, cc4=cc4, ss4=ss4):
                xs, ys = carry
                base = t * n_chains
                col = pl.ds(c * lanes, lanes)
                nxs, nys = [], []
                for k in range(n_chains):
                    pe_v[base + k, col] = xs[k]
                    nxs.append(xs[k] * cc4 + ys[k] * ss4)
                    nys.append(ys[k] * cc4 - xs[k] * ss4)
                return (tuple(nxs), tuple(nys))

            lax.fori_loop(0, ppw // n_chains, gen, (tuple(hx), tuple(hy)))
            return theta * rho_chunk

        lax.fori_loop(0, n_chunks, chunk_body, powvec)

        stores = [None] * batch
        for b in range(batch):
            buf = b % 2
            if b + 1 < batch:
                if stores[b - 1] is not None:
                    stores[b - 1].wait()
                gathers[b + 1] = pltpu.async_copy(
                    table_hbm.at[idx_v.at[b + 1]], rows_v.at[(b + 1) % 2], gsem
                )
            gathers[b].wait()

            def row_add(r, carry, buf=buf):
                for c in range(n_chunks):
                    plsc.addupdate(rows_v.at[buf, r, chunk(c)], pe_v[r, chunk(c)])
                return carry

            lax.fori_loop(0, ppw, row_add, 0)

            stores[b] = pltpu.async_copy(
                rows_v.at[buf], out_hbm.at[b, pl.ds(pos0, ppw)], ssem
            )
        stores[batch - 2].wait()
        stores[batch - 1].wait()

    return emb


def kernel(input_ids, table):
    batch, seq = input_ids.shape
    dim = table.shape[1]
    idx = input_ids.astype(jnp.int32)
    return _build(batch, seq, dim)(idx, table)

# --- scband reference (transcript-rebuilt; emitter-appended) ---
"""Pipeline reference for scband-transformer-embedding-59115929862263 (READ-ONLY COPY).

The authoritative reference and input builder live on the scoring server;
editing this copy changes nothing except your own understanding.
"""

import jax, jax.numpy as jnp
import numpy as np

N_VOCAB = 100000
MAX_LENGTH = 4096
OUT_DIM = 128

def make_pe(max_length, out_dim):
    position = np.arange(max_length, dtype=np.float32)[:, None]
    div_term = np.exp(np.arange(0, out_dim, 2, dtype=np.float32) * -(np.log(10000.0) / out_dim))
    pe = np.zeros((max_length, out_dim), dtype=np.float32)
    pe[:, 0::2] = np.sin(position * div_term)
    pe[:, 1::2] = np.cos(position * div_term)
    return jnp.asarray(pe)[None, :, :]

PE = make_pe(MAX_LENGTH, OUT_DIM)

def setup_inputs(seed: int = 0) -> dict:
    key = jax.random.key(seed)
    k_ids, k_tab = jax.random.split(key)
    input_ids = jax.random.randint(k_ids, (4, 4096), 0, N_VOCAB, dtype=jnp.int64)
    # torch.nn.Embedding default init: N(0, 1)
    table = jax.random.normal(k_tab, (N_VOCAB, OUT_DIM), dtype=jnp.float32)
    return {"input_ids": input_ids, "table": table}

def reference(input_ids, table):
    # token embedding: gather rows from table
    token_embeds = jnp.take(table, input_ids, axis=0)  # [B, S, D]
    # positional embedding: slice precomputed sinusoidal buffer
    seq_len = input_ids.shape[1]
    pos_embeds = PE[:, :seq_len, :]  # [1, S, D]
    combined = token_embeds + pos_embeds
    # dropout is identity in eval mode
    return combined

if __name__ == "__main__":
    import jax
    _d = setup_inputs()
    print(jax.jit(kernel)(*tuple(_d.values())))

</pallas_src>

<mosaic_0001>
#map = affine_map<(d0, d1) -> (0, 0)>
#map1 = affine_map<(d0, d1) -> (0, 0, 0)>
module attributes {stable_mosaic.version = 14 : i64} {
  func.func @emb(%arg0: i32, %arg1: i32, %arg2: memref<4x4096xi32, #tpu.memory_space<hbm>>, %arg3: memref<100000x128xf32, #tpu.memory_space<hbm>>, %arg4: memref<4x4096x128xf32, #tpu.memory_space<hbm>>, %arg5: memref<4x128xi32, #tpu.memory_space<vmem>>, %arg6: memref<128x128xf32, #tpu.memory_space<vmem>>, %arg7: memref<2x128x128xf32, #tpu.memory_space<vmem>>, %arg8: memref<!tpu.dma_semaphore, #tpu.memory_space<semaphore_mem>>, %arg9: memref<!tpu.dma_semaphore, #tpu.memory_space<semaphore_mem>>) attributes {dimension_semantics = [#tpu.dimension_semantics<core_parallel>, #tpu.dimension_semantics<subcore_parallel>], iteration_bounds = array<i64: 2, 16>, scalar_prefetch = 0 : i64, scratch_operands = 5 : i64, tpu.core_type = #tpu.core_type<sc_vector_subcore>, window_params = [{transform_indices = #map}, {transform_indices = #map}, {transform_indices = #map1}]} {
    %mul3A = arith.constant 2 : i32
    %mul3A_0 = arith.muli %arg1, %mul3A : i32
    %add3A = arith.addi %mul3A_0, %arg0 : i32
    %mul3A_1 = arith.constant 128 : i32
    %mul3A_2 = arith.muli %add3A, %mul3A_1 : i32
    "tpu.region"() ({
      %run_scoped3A = tpu.sem_alloc : memref<!tpu.dma_semaphore, #tpu.memory_space<semaphore_mem>>
      %dma_start3A_318 = arith.constant 0 : i32
      %dma_start3A_319 = tpu.memref_slice %arg2[%dma_start3A_318, %mul3A_2] : memref<4x4096xi32, #tpu.memory_space<hbm>> -> memref<4x128xi32, #tpu.memory_space<hbm>>
      %dma_start3A_320 = arith.constant 0 : i32
      %dma_start3A_321 = tpu.memref_slice %arg2[%dma_start3A_320, %mul3A_2] : memref<4x4096xi32, #tpu.memory_space<hbm>> -> memref<4x128xi32, #tpu.memory_space<hbm>>
      tpu.enqueue_dma source(%dma_start3A_321 : memref<4x128xi32, #tpu.memory_space<hbm>>) target(%arg5 : memref<4x128xi32, #tpu.memory_space<vmem>>) target_semaphore(%run_scoped3A : memref<!tpu.dma_semaphore, #tpu.memory_space<semaphore_mem>>)
      %dma_wait3A_322 = arith.constant 0 : i32
      %dma_wait3A_323 = tpu.memref_slice %arg2[%dma_wait3A_322, %mul3A_2] : memref<4x4096xi32, #tpu.memory_space<hbm>> -> memref<4x128xi32, #tpu.memory_space<hbm>>
      %dma_wait3A_324 = arith.constant 0 : i32
      %dma_wait3A_325 = tpu.memref_slice %arg2[%dma_wait3A_324, %mul3A_2] : memref<4x4096xi32, #tpu.memory_space<hbm>> -> memref<4x128xi32, #tpu.memory_space<hbm>>
      tpu.wait_dma2 semaphore(%run_scoped3A : memref<!tpu.dma_semaphore, #tpu.memory_space<semaphore_mem>>) src(%dma_wait3A_325 : memref<4x128xi32, #tpu.memory_space<hbm>>) dst(%arg5 : memref<4x128xi32, #tpu.memory_space<vmem>>)
      tpu.yield
    }) : () -> ()
    %dma_start3A = arith.constant 0 : i32
    %dma_start3A_3 = arith.constant 0 : i32
    %dma_start3A_4 = arith.constant 0 : i32
    %dma_start3A_5 = arith.constant 0 : i32
    %dma_start3A_6 = tpu.memref_slice %arg7[%dma_start3A_3, %dma_start3A_4, %dma_start3A_5] : memref<2x128x128xf32, #tpu.memory_space<vmem>> -> memref<1x128x128xf32, #tpu.memory_space<vmem>>
    %dma_start3A_7 = tpu.memref_squeeze %dma_start3A_6 : memref<1x128x128xf32, #tpu.memory_space<vmem>> -> memref<128x128xf32, #tpu.memory_space<vmem>>
    %dma_start3A_8 = arith.constant 0 : i32
    %dma_start3A_9 = tpu.memref_slice %arg5[%dma_start3A, %dma_start3A_8] : memref<4x128xi32, #tpu.memory_space<vmem>> -> memref<1x128xi32, #tpu.memory_space<vmem>>
    %dma_start3A_10 = tpu.memref_squeeze %dma_start3A_9 : memref<1x128xi32, #tpu.memory_space<vmem>> -> memref<128xi32, #tpu.memory_space<vmem>>
    %dma_start3A_11 = arith.constant 0 : i32
    %dma_start3A_12 = arith.constant 0 : i32
    %dma_start3A_13 = tpu.memref_slice %arg3[%dma_start3A_11, %dma_start3A_12] : memref<100000x128xf32, #tpu.memory_space<hbm>> -> memref<100000x128xf32, #tpu.memory_space<hbm>>
    tpu.enqueue_indirect_dma source(%dma_start3A_13 : memref<100000x128xf32, #tpu.memory_space<hbm>>) target(%dma_start3A_7 : memref<128x128xf32, #tpu.memory_space<vmem>>) offsets(%dma_start3A_10 : memref<128xi32, #tpu.memory_space<vmem>>) semaphore(%arg8 : memref<!tpu.dma_semaphore, #tpu.memory_space<semaphore_mem>>)
    %iota3A = tpu.iota {dimensions = array<i32: 0>} : vector<16xi32>
    %shift_right_arithmetic3A = arith.constant 1 : i32
    %shift_right_arithmetic3A_14 = vector.broadcast %shift_right_arithmetic3A : i32 to vector<16xi32>
    %shift_right_arithmetic3A_15 = arith.shrsi %iota3A, %shift_right_arithmetic3A_14 : vector<16xi32>
    %eq3A = arith.constant 6 : i32
    %eq3A_16 = vector.broadcast %eq3A : i32 to vector<16xi32>
    %eq3A_17 = arith.cmpi eq, %shift_right_arithmetic3A_15, %eq3A_16 : vector<16xi32>
    %jit3A = arith.constant 0.421696514 : f32
    %jit3A_18 = arith.constant 0.365174115 : f32
    %broadcast_in_dim3A = vector.broadcast %jit3A : f32 to vector<16xf32>
    %broadcast_in_dim3A_19 = vector.broadcast %jit3A_18 : f32 to vector<16xf32>
    %select_n3A = arith.select %eq3A_17, %broadcast_in_dim3A, %broadcast_in_dim3A_19 : vector<16xi1>, vector<16xf32>
    %eq3A_20 = arith.constant 5 : i32
    %eq3A_21 = vector.broadcast %eq3A_20 : i32 to vector<16xi32>
    %eq3A_22 = arith.cmpi eq, %shift_right_arithmetic3A_15, %eq3A_21 : vector<16xi32>
    %jit3A_23 = arith.constant 0.486967534 : f32
    %broadcast_in_dim3A_24 = vector.broadcast %jit3A_23 : f32 to vector<16xf32>
    %select_n3A_25 = arith.select %eq3A_22, %broadcast_in_dim3A_24, %select_n3A : vector<16xi1>, vector<16xf32>
    %eq3A_26 = arith.constant 4 : i32
    %eq3A_27 = vector.broadcast %eq3A_26 : i32 to vector<16xi32>
    %eq3A_28 = arith.cmpi eq, %shift_right_arithmetic3A_15, %eq3A_27 : vector<16xi32>
    %jit3A_29 = arith.constant 0.562341332 : f32
    %broadcast_in_dim3A_30 = vector.broadcast %jit3A_29 : f32 to vector<16xf32>
    %select_n3A_31 = arith.select %eq3A_28, %broadcast_in_dim3A_30, %select_n3A_25 : vector<16xi1>, vector<16xf32>
    %eq3A_32 = arith.constant 3 : i32
    %eq3A_33 = vector.broadcast %eq3A_32 : i32 to vector<16xi32>
    %eq3A_34 = arith.cmpi eq, %shift_right_arithmetic3A_15, %eq3A_33 : vector<16xi32>
    %jit3A_35 = arith.constant 0.649381638 : f32
    %broadcast_in_dim3A_36 = vector.broadcast %jit3A_35 : f32 to vector<16xf32>
    %select_n3A_37 = arith.select %eq3A_34, %broadcast_in_dim3A_36, %select_n3A_31 : vector<16xi1>, vector<16xf32>
    %eq3A_38 = arith.constant 2 : i32
    %eq3A_39 = vector.broadcast %eq3A_38 : i32 to vector<16xi32>
    %eq3A_40 = arith.cmpi eq, %shift_right_arithmetic3A_15, %eq3A_39 : vector<16xi32>
    %jit3A_41 = arith.constant 0.749894201 : f32
    %broadcast_in_dim3A_42 = vector.broadcast %jit3A_41 : f32 to vector<16xf32>
    %select_n3A_43 = arith.select %eq3A_40, %broadcast_in_dim3A_42, %select_n3A_37 : vector<16xi1>, vector<16xf32>
    %eq3A_44 = arith.constant 1 : i32
    %eq3A_45 = vector.broadcast %eq3A_44 : i32 to vector<16xi32>
    %eq3A_46 = arith.cmpi eq, %shift_right_arithmetic3A_15, %eq3A_45 : vector<16xi32>
    %jit3A_47 = arith.constant 0.865964353 : f32
    %broadcast_in_dim3A_48 = vector.broadcast %jit3A_47 : f32 to vector<16xf32>
    %select_n3A_49 = arith.select %eq3A_46, %broadcast_in_dim3A_48, %select_n3A_43 : vector<16xi1>, vector<16xf32>
    %eq3A_50 = arith.constant 0 : i32
    %eq3A_51 = vector.broadcast %eq3A_50 : i32 to vector<16xi32>
    %eq3A_52 = arith.cmpi eq, %shift_right_arithmetic3A_15, %eq3A_51 : vector<16xi32>
    %jit3A_53 = arith.constant 1.000000e+00 : f32
    %broadcast_in_dim3A_54 = vector.broadcast %jit3A_53 : f32 to vector<16xf32>
    %select_n3A_55 = arith.select %eq3A_52, %broadcast_in_dim3A_54, %select_n3A_49 : vector<16xi1>, vector<16xf32>
    %and3A = arith.constant 1 : i32
    %and3A_56 = vector.broadcast %and3A : i32 to vector<16xi32>
    %and3A_57 = arith.andi %iota3A, %and3A_56 : vector<16xi32>
    %mul3A_58 = arith.constant 2 : i32
    %mul3A_59 = vector.broadcast %mul3A_58 : i32 to vector<16xi32>
    %mul3A_60 = arith.muli %mul3A_59, %and3A_57 : vector<16xi32>
    %sub3A = arith.constant 1 : i32
    %sub3A_61 = vector.broadcast %sub3A : i32 to vector<16xi32>
    %sub3A_62 = arith.subi %sub3A_61, %mul3A_60 : vector<16xi32>
    %convert_element_type3A = arith.sitofp %sub3A_62 : vector<16xi32> to vector<16xf32>
    %and3A_63 = arith.constant 1 : i32
    %and3A_64 = vector.broadcast %and3A_63 : i32 to vector<16xi32>
    %and3A_65 = arith.andi %iota3A, %and3A_64 : vector<16xi32>
    %eq3A_66 = arith.constant 1 : i32
    %eq3A_67 = vector.broadcast %eq3A_66 : i32 to vector<16xi32>
    %eq3A_68 = arith.cmpi eq, %and3A_65, %eq3A_67 : vector<16xi32>
    %jit3A_69 = arith.constant 1.000000e+00 : f32
    %jit3A_70 = arith.constant 0.000000e+00 : f32
    %broadcast_in_dim3A_71 = vector.broadcast %jit3A_69 : f32 to vector<16xf32>
    %broadcast_in_dim3A_72 = vector.broadcast %jit3A_70 : f32 to vector<16xf32>
    %select_n3A_73 = arith.select %eq3A_68, %broadcast_in_dim3A_71, %broadcast_in_dim3A_72 : vector<16xi1>, vector<16xf32>
    %sub3A_74 = arith.constant 1.000000e+00 : f32
    %sub3A_75 = vector.broadcast %sub3A_74 : f32 to vector<16xf32>
    %sub3A_76 = arith.subf %sub3A_75, %select_n3A_73 : vector<16xf32>
    %scan3A = arith.constant 0.316227764 : f32
    %scan3A_77 = arith.constant 0 : i32
    %scan3A_78 = arith.constant 8 : i32
    %scan3A_79 = arith.addi %scan3A_77, %scan3A_78 : i32
    %scan3A_80 = arith.constant 1 : i32
    %scan3A_81 = scf.for %scan3A_318 = %scan3A_77 to %scan3A_79 step %scan3A_80 iter_args(%scan3A_319 = %select_n3A_55) -> (vector<16xf32>)  : i32 {
      %mul3A_320 = arith.mulf %scan3A_319, %scan3A_319 : vector<16xf32>
      %mul3A_321 = arith.constant 2.75573188E-6 : f32
      %mul3A_322 = vector.broadcast %mul3A_321 : f32 to vector<16xf32>
      %mul3A_323 = arith.mulf %mul3A_322, %mul3A_320 : vector<16xf32>
      %add3A_324 = arith.constant -1.98412701E-4 : f32
      %add3A_325 = vector.broadcast %add3A_324 : f32 to vector<16xf32>
      %add3A_326 = arith.addf %mul3A_323, %add3A_325 : vector<16xf32>
      %mul3A_327 = arith.mulf %add3A_326, %mul3A_320 : vector<16xf32>
      %add3A_328 = arith.constant 0.00833333377 : f32
      %add3A_329 = vector.broadcast %add3A_328 : f32 to vector<16xf32>
      %add3A_330 = arith.addf %mul3A_327, %add3A_329 : vector<16xf32>
      %mul3A_331 = arith.mulf %add3A_330, %mul3A_320 : vector<16xf32>
      %add3A_332 = arith.constant -0.166666672 : f32
      %add3A_333 = vector.broadcast %add3A_332 : f32 to vector<16xf32>
      %add3A_334 = arith.addf %mul3A_331, %add3A_333 : vector<16xf32>
      %mul3A_335 = arith.mulf %add3A_334, %mul3A_320 : vector<16xf32>
      %add3A_336 = arith.constant 1.000000e+00 : f32
      %add3A_337 = vector.broadcast %add3A_336 : f32 to vector<16xf32>
      %add3A_338 = arith.addf %mul3A_335, %add3A_337 : vector<16xf32>
      %mul3A_339 = arith.mulf %scan3A_319, %add3A_338 : vector<16xf32>
      %mul3A_340 = arith.constant 2.755732E-7 : f32
      %mul3A_341 = vector.broadcast %mul3A_340 : f32 to vector<16xf32>
      %mul3A_342 = arith.mulf %mul3A_341, %mul3A_320 : vector<16xf32>
      %add3A_343 = arith.constant -2.48015876E-5 : f32
      %add3A_344 = vector.broadcast %add3A_343 : f32 to vector<16xf32>
      %add3A_345 = arith.addf %mul3A_342, %add3A_344 : vector<16xf32>
      %mul3A_346 = arith.mulf %add3A_345, %mul3A_320 : vector<16xf32>
      %add3A_347 = arith.constant 0.00138888892 : f32
      %add3A_348 = vector.broadcast %add3A_347 : f32 to vector<16xf32>
      %add3A_349 = arith.addf %mul3A_346, %add3A_348 : vector<16xf32>
      %mul3A_350 = arith.mulf %add3A_349, %mul3A_320 : vector<16xf32>
      %add3A_351 = arith.constant -0.0416666679 : f32
      %add3A_352 = vector.broadcast %add3A_351 : f32 to vector<16xf32>
      %add3A_353 = arith.addf %mul3A_350, %add3A_352 : vector<16xf32>
      %mul3A_354 = arith.mulf %add3A_353, %mul3A_320 : vector<16xf32>
      %add3A_355 = arith.constant 5.000000e-01 : f32
      %add3A_356 = vector.broadcast %add3A_355 : f32 to vector<16xf32>
      %add3A_357 = arith.addf %mul3A_354, %add3A_356 : vector<16xf32>
      %mul3A_358 = arith.mulf %add3A_357, %mul3A_320 : vector<16xf32>
      %sub3A_359 = arith.constant 1.000000e+00 : f32
      %sub3A_360 = vector.broadcast %sub3A_359 : f32 to vector<16xf32>
      %sub3A_361 = arith.subf %sub3A_360, %mul3A_358 : vector<16xf32>
      %mul3A_362 = arith.mulf %mul3A_339, %convert_element_type3A : vector<16xf32>
      %mul3A_363 = arith.constant 2.000000e+00 : f32
      %mul3A_364 = vector.broadcast %mul3A_363 : f32 to vector<16xf32>
      %mul3A_365 = arith.mulf %mul3A_364, %mul3A_362 : vector<16xf32>
      %mul3A_366 = arith.mulf %mul3A_362, %mul3A_358 : vector<16xf32>
      %mul3A_367 = arith.constant 2.000000e+00 : f32
      %mul3A_368 = vector.broadcast %mul3A_367 : f32 to vector<16xf32>
      %mul3A_369 = arith.mulf %mul3A_368, %mul3A_366 : vector<16xf32>
      %sub3A_370 = arith.subf %mul3A_365, %mul3A_369 : vector<16xf32>
      %mul3A_371 = arith.mulf %mul3A_362, %mul3A_362 : vector<16xf32>
      %mul3A_372 = arith.constant 2.000000e+00 : f32
      %mul3A_373 = vector.broadcast %mul3A_372 : f32 to vector<16xf32>
      %mul3A_374 = arith.mulf %mul3A_373, %mul3A_371 : vector<16xf32>
      %mul3A_375 = arith.constant 2.000000e+00 : f32
      %mul3A_376 = vector.broadcast %mul3A_375 : f32 to vector<16xf32>
      %mul3A_377 = arith.mulf %mul3A_376, %sub3A_370 : vector<16xf32>
      %mul3A_378 = arith.mulf %sub3A_370, %mul3A_374 : vector<16xf32>
      %mul3A_379 = arith.constant 2.000000e+00 : f32
      %mul3A_380 = vector.broadcast %mul3A_379 : f32 to vector<16xf32>
      %mul3A_381 = arith.mulf %mul3A_380, %mul3A_378 : vector<16xf32>
      %sub3A_382 = arith.subf %mul3A_377, %mul3A_381 : vector<16xf32>
      %mul3A_383 = arith.mulf %sub3A_370, %sub3A_370 : vector<16xf32>
      %mul3A_384 = arith.constant 2.000000e+00 : f32
      %mul3A_385 = vector.broadcast %mul3A_384 : f32 to vector<16xf32>
      %mul3A_386 = arith.mulf %mul3A_385, %mul3A_383 : vector<16xf32>
      %mul3A_387 = arith.constant 2.000000e+00 : f32
      %mul3A_388 = vector.broadcast %mul3A_387 : f32 to vector<16xf32>
      %mul3A_389 = arith.mulf %mul3A_388, %sub3A_382 : vector<16xf32>
      %mul3A_390 = arith.mulf %sub3A_382, %mul3A_386 : vector<16xf32>
      %mul3A_391 = arith.constant 2.000000e+00 : f32
      %mul3A_392 = vector.broadcast %mul3A_391 : f32 to vector<16xf32>
      %mul3A_393 = arith.mulf %mul3A_392, %mul3A_390 : vector<16xf32>
      %sub3A_394 = arith.subf %mul3A_389, %mul3A_393 : vector<16xf32>
      %mul3A_395 = arith.mulf %sub3A_382, %sub3A_382 : vector<16xf32>
      %mul3A_396 = arith.constant 2.000000e+00 : f32
      %mul3A_397 = vector.broadcast %mul3A_396 : f32 to vector<16xf32>
      %mul3A_398 = arith.mulf %mul3A_397, %mul3A_395 : vector<16xf32>
      %mul3A_399 = arith.constant 2.000000e+00 : f32
      %mul3A_400 = vector.broadcast %mul3A_399 : f32 to vector<16xf32>
      %mul3A_401 = arith.mulf %mul3A_400, %sub3A_394 : vector<16xf32>
      %mul3A_402 = arith.mulf %sub3A_394, %mul3A_398 : vector<16xf32>
      %mul3A_403 = arith.constant 2.000000e+00 : f32
      %mul3A_404 = vector.broadcast %mul3A_403 : f32 to vector<16xf32>
      %mul3A_405 = arith.mulf %mul3A_404, %mul3A_402 : vector<16xf32>
      %sub3A_406 = arith.subf %mul3A_401, %mul3A_405 : vector<16xf32>
      %mul3A_407 = arith.mulf %sub3A_394, %sub3A_394 : vector<16xf32>
      %mul3A_408 = arith.constant 2.000000e+00 : f32
      %mul3A_409 = vector.broadcast %mul3A_408 : f32 to vector<16xf32>
      %mul3A_410 = arith.mulf %mul3A_409, %mul3A_407 : vector<16xf32>
      %mul3A_411 = arith.constant 2.000000e+00 : f32
      %mul3A_412 = vector.broadcast %mul3A_411 : f32 to vector<16xf32>
      %mul3A_413 = arith.mulf %mul3A_412, %sub3A_406 : vector<16xf32>
      %mul3A_414 = arith.mulf %sub3A_406, %mul3A_410 : vector<16xf32>
      %mul3A_415 = arith.constant 2.000000e+00 : f32
      %mul3A_416 = vector.broadcast %mul3A_415 : f32 to vector<16xf32>
      %mul3A_417 = arith.mulf %mul3A_416, %mul3A_414 : vector<16xf32>
      %sub3A_418 = arith.subf %mul3A_413, %mul3A_417 : vector<16xf32>
      %mul3A_419 = arith.mulf %sub3A_406, %sub3A_406 : vector<16xf32>
      %mul3A_420 = arith.constant 2.000000e+00 : f32
      %mul3A_421 = vector.broadcast %mul3A_420 : f32 to vector<16xf32>
      %mul3A_422 = arith.mulf %mul3A_421, %mul3A_419 : vector<16xf32>
      %mul3A_423 = arith.constant 2.000000e+00 : f32
      %mul3A_424 = vector.broadcast %mul3A_423 : f32 to vector<16xf32>
      %mul3A_425 = arith.mulf %mul3A_424, %sub3A_418 : vector<16xf32>
      %mul3A_426 = arith.mulf %sub3A_418, %mul3A_422 : vector<16xf32>
      %mul3A_427 = arith.constant 2.000000e+00 : f32
      %mul3A_428 = vector.broadcast %mul3A_427 : f32 to vector<16xf32>
      %mul3A_429 = arith.mulf %mul3A_428, %mul3A_426 : vector<16xf32>
      %sub3A_430 = arith.subf %mul3A_425, %mul3A_429 : vector<16xf32>
      %mul3A_431 = arith.mulf %sub3A_418, %sub3A_418 : vector<16xf32>
      %mul3A_432 = arith.constant 2.000000e+00 : f32
      %mul3A_433 = vector.broadcast %mul3A_432 : f32 to vector<16xf32>
      %mul3A_434 = arith.mulf %mul3A_433, %mul3A_431 : vector<16xf32>
      %mul3A_435 = arith.constant 2.000000e+00 : f32
      %mul3A_436 = vector.broadcast %mul3A_435 : f32 to vector<16xf32>
      %mul3A_437 = arith.mulf %mul3A_436, %sub3A_430 : vector<16xf32>
      %mul3A_438 = arith.mulf %sub3A_430, %mul3A_434 : vector<16xf32>
      %mul3A_439 = arith.constant 2.000000e+00 : f32
      %mul3A_440 = vector.broadcast %mul3A_439 : f32 to vector<16xf32>
      %mul3A_441 = arith.mulf %mul3A_440, %mul3A_438 : vector<16xf32>
      %sub3A_442 = arith.subf %mul3A_437, %mul3A_441 : vector<16xf32>
      %mul3A_443 = arith.mulf %sub3A_430, %sub3A_430 : vector<16xf32>
      %mul3A_444 = arith.constant 2.000000e+00 : f32
      %mul3A_445 = vector.broadcast %mul3A_444 : f32 to vector<16xf32>
      %mul3A_446 = arith.mulf %mul3A_445, %mul3A_443 : vector<16xf32>
      %mul3A_447 = arith.constant 2.000000e+00 : f32
      %mul3A_448 = vector.broadcast %mul3A_447 : f32 to vector<16xf32>
      %mul3A_449 = arith.mulf %mul3A_448, %sub3A_442 : vector<16xf32>
      %mul3A_450 = arith.mulf %sub3A_442, %mul3A_446 : vector<16xf32>
      %mul3A_451 = arith.constant 2.000000e+00 : f32
      %mul3A_452 = vector.broadcast %mul3A_451 : f32 to vector<16xf32>
      %mul3A_453 = arith.mulf %mul3A_452, %mul3A_450 : vector<16xf32>
      %sub3A_454 = arith.subf %mul3A_449, %mul3A_453 : vector<16xf32>
      %mul3A_455 = arith.mulf %sub3A_442, %sub3A_442 : vector<16xf32>
      %mul3A_456 = arith.constant 2.000000e+00 : f32
      %mul3A_457 = vector.broadcast %mul3A_456 : f32 to vector<16xf32>
      %mul3A_458 = arith.mulf %mul3A_457, %mul3A_455 : vector<16xf32>
      %mul3A_459 = arith.constant 2.000000e+00 : f32
      %mul3A_460 = vector.broadcast %mul3A_459 : f32 to vector<16xf32>
      %mul3A_461 = arith.mulf %mul3A_460, %sub3A_454 : vector<16xf32>
      %mul3A_462 = arith.mulf %sub3A_454, %mul3A_458 : vector<16xf32>
      %mul3A_463 = arith.constant 2.000000e+00 : f32
      %mul3A_464 = vector.broadcast %mul3A_463 : f32 to vector<16xf32>
      %mul3A_465 = arith.mulf %mul3A_464, %mul3A_462 : vector<16xf32>
      %sub3A_466 = arith.subf %mul3A_461, %mul3A_465 : vector<16xf32>
      %mul3A_467 = arith.mulf %sub3A_454, %sub3A_454 : vector<16xf32>
      %mul3A_468 = arith.constant 2.000000e+00 : f32
      %mul3A_469 = vector.broadcast %mul3A_468 : f32 to vector<16xf32>
      %mul3A_470 = arith.mulf %mul3A_469, %mul3A_467 : vector<16xf32>
      %mul3A_471 = arith.constant 2.000000e+00 : f32
      %mul3A_472 = vector.broadcast %mul3A_471 : f32 to vector<16xf32>
      %mul3A_473 = arith.mulf %mul3A_472, %sub3A_466 : vector<16xf32>
      %mul3A_474 = arith.mulf %sub3A_466, %mul3A_470 : vector<16xf32>
      %mul3A_475 = arith.constant 2.000000e+00 : f32
      %mul3A_476 = vector.broadcast %mul3A_475 : f32 to vector<16xf32>
      %mul3A_477 = arith.mulf %mul3A_476, %mul3A_474 : vector<16xf32>
      %sub3A_478 = arith.subf %mul3A_473, %mul3A_477 : vector<16xf32>
      %mul3A_479 = arith.mulf %sub3A_466, %sub3A_466 : vector<16xf32>
      %mul3A_480 = arith.constant 2.000000e+00 : f32
      %mul3A_481 = vector.broadcast %mul3A_480 : f32 to vector<16xf32>
      %mul3A_482 = arith.mulf %mul3A_481, %mul3A_479 : vector<16xf32>
      %mul3A_483 = arith.constant 2.000000e+00 : f32
      %mul3A_484 = vector.broadcast %mul3A_483 : f32 to vector<16xf32>
      %mul3A_485 = arith.mulf %mul3A_484, %sub3A_478 : vector<16xf32>
      %mul3A_486 = arith.mulf %sub3A_478, %mul3A_482 : vector<16xf32>
      %mul3A_487 = arith.constant 2.000000e+00 : f32
      %mul3A_488 = vector.broadcast %mul3A_487 : f32 to vector<16xf32>
      %mul3A_489 = arith.mulf %mul3A_488, %mul3A_486 : vector<16xf32>
      %sub3A_490 = arith.subf %mul3A_485, %mul3A_489 : vector<16xf32>
      %mul3A_491 = arith.mulf %sub3A_478, %sub3A_478 : vector<16xf32>
      %mul3A_492 = arith.constant 2.000000e+00 : f32
      %mul3A_493 = vector.broadcast %mul3A_492 : f32 to vector<16xf32>
      %mul3A_494 = arith.mulf %mul3A_493, %mul3A_491 : vector<16xf32>
      %mul3A_495 = arith.mulf %select_n3A_73, %mul3A_446 : vector<16xf32>
      %sub3A_496 = arith.subf %select_n3A_73, %mul3A_495 : vector<16xf32>
      %mul3A_497 = arith.mulf %sub3A_76, %sub3A_442 : vector<16xf32>
      %add3A_498 = arith.addf %sub3A_496, %mul3A_497 : vector<16xf32>
      %mul3A_499 = arith.mulf %sub3A_76, %mul3A_446 : vector<16xf32>
      %sub3A_500 = arith.subf %sub3A_76, %mul3A_499 : vector<16xf32>
      %mul3A_501 = arith.mulf %select_n3A_73, %sub3A_442 : vector<16xf32>
      %sub3A_502 = arith.subf %sub3A_500, %mul3A_501 : vector<16xf32>
      %shift_right_arithmetic3A_503 = arith.constant 0 : i32
      %shift_right_arithmetic3A_504 = arith.shrsi %add3A, %shift_right_arithmetic3A_503 : i32
      %and3A_505 = arith.constant 1 : i32
      %and3A_506 = arith.andi %shift_right_arithmetic3A_504, %and3A_505 : i32
      %eq3A_507 = arith.constant 1 : i32
      %eq3A_508 = arith.cmpi eq, %and3A_506, %eq3A_507 : i32
      %select_n3A_509 = arith.select %eq3A_508, %add3A_498, %select_n3A_73 : vector<16xf32>
      %select_n3A_510 = arith.select %eq3A_508, %sub3A_502, %sub3A_76 : vector<16xf32>
      %mul3A_511 = arith.mulf %select_n3A_509, %mul3A_458 : vector<16xf32>
      %sub3A_512 = arith.subf %select_n3A_509, %mul3A_511 : vector<16xf32>
      %mul3A_513 = arith.mulf %select_n3A_510, %sub3A_454 : vector<16xf32>
      %add3A_514 = arith.addf %sub3A_512, %mul3A_513 : vector<16xf32>
      %mul3A_515 = arith.mulf %select_n3A_510, %mul3A_458 : vector<16xf32>
      %sub3A_516 = arith.subf %select_n3A_510, %mul3A_515 : vector<16xf32>
      %mul3A_517 = arith.mulf %select_n3A_509, %sub3A_454 : vector<16xf32>
      %sub3A_518 = arith.subf %sub3A_516, %mul3A_517 : vector<16xf32>
      %shift_right_arithmetic3A_519 = arith.constant 1 : i32
      %shift_right_arithmetic3A_520 = arith.shrsi %add3A, %shift_right_arithmetic3A_519 : i32
      %and3A_521 = arith.constant 1 : i32
      %and3A_522 = arith.andi %shift_right_arithmetic3A_520, %and3A_521 : i32
      %eq3A_523 = arith.constant 1 : i32
      %eq3A_524 = arith.cmpi eq, %and3A_522, %eq3A_523 : i32
      %select_n3A_525 = arith.select %eq3A_524, %add3A_514, %select_n3A_509 : vector<16xf32>
      %select_n3A_526 = arith.select %eq3A_524, %sub3A_518, %select_n3A_510 : vector<16xf32>
      %mul3A_527 = arith.mulf %select_n3A_525, %mul3A_470 : vector<16xf32>
      %sub3A_528 = arith.subf %select_n3A_525, %mul3A_527 : vector<16xf32>
      %mul3A_529 = arith.mulf %select_n3A_526, %sub3A_466 : vector<16xf32>
      %add3A_530 = arith.addf %sub3A_528, %mul3A_529 : vector<16xf32>
      %mul3A_531 = arith.mulf %select_n3A_526, %mul3A_470 : vector<16xf32>
      %sub3A_532 = arith.subf %select_n3A_526, %mul3A_531 : vector<16xf32>
      %mul3A_533 = arith.mulf %select_n3A_525, %sub3A_466 : vector<16xf32>
      %sub3A_534 = arith.subf %sub3A_532, %mul3A_533 : vector<16xf32>
      %shift_right_arithmetic3A_535 = arith.constant 2 : i32
      %shift_right_arithmetic3A_536 = arith.shrsi %add3A, %shift_right_arithmetic3A_535 : i32
      %and3A_537 = arith.constant 1 : i32
      %and3A_538 = arith.andi %shift_right_arithmetic3A_536, %and3A_537 : i32
      %eq3A_539 = arith.constant 1 : i32
      %eq3A_540 = arith.cmpi eq, %and3A_538, %eq3A_539 : i32
      %select_n3A_541 = arith.select %eq3A_540, %add3A_530, %select_n3A_525 : vector<16xf32>
      %select_n3A_542 = arith.select %eq3A_540, %sub3A_534, %select_n3A_526 : vector<16xf32>
      %mul3A_543 = arith.mulf %select_n3A_541, %mul3A_482 : vector<16xf32>
      %sub3A_544 = arith.subf %select_n3A_541, %mul3A_543 : vector<16xf32>
      %mul3A_545 = arith.mulf %select_n3A_542, %sub3A_478 : vector<16xf32>
      %add3A_546 = arith.addf %sub3A_544, %mul3A_545 : vector<16xf32>
      %mul3A_547 = arith.mulf %select_n3A_542, %mul3A_482 : vector<16xf32>
      %sub3A_548 = arith.subf %select_n3A_542, %mul3A_547 : vector<16xf32>
      %mul3A_549 = arith.mulf %select_n3A_541, %sub3A_478 : vector<16xf32>
      %sub3A_550 = arith.subf %sub3A_548, %mul3A_549 : vector<16xf32>
      %shift_right_arithmetic3A_551 = arith.constant 3 : i32
      %shift_right_arithmetic3A_552 = arith.shrsi %add3A, %shift_right_arithmetic3A_551 : i32
      %and3A_553 = arith.constant 1 : i32
      %and3A_554 = arith.andi %shift_right_arithmetic3A_552, %and3A_553 : i32
      %eq3A_555 = arith.constant 1 : i32
      %eq3A_556 = arith.cmpi eq, %and3A_554, %eq3A_555 : i32
      %select_n3A_557 = arith.select %eq3A_556, %add3A_546, %select_n3A_541 : vector<16xf32>
      %select_n3A_558 = arith.select %eq3A_556, %sub3A_550, %select_n3A_542 : vector<16xf32>
      %mul3A_559 = arith.mulf %select_n3A_557, %mul3A_494 : vector<16xf32>
      %sub3A_560 = arith.subf %select_n3A_557, %mul3A_559 : vector<16xf32>
      %mul3A_561 = arith.mulf %select_n3A_558, %sub3A_490 : vector<16xf32>
      %add3A_562 = arith.addf %sub3A_560, %mul3A_561 : vector<16xf32>
      %mul3A_563 = arith.mulf %select_n3A_558, %mul3A_494 : vector<16xf32>
      %sub3A_564 = arith.subf %select_n3A_558, %mul3A_563 : vector<16xf32>
      %mul3A_565 = arith.mulf %select_n3A_557, %sub3A_490 : vector<16xf32>
      %sub3A_566 = arith.subf %sub3A_564, %mul3A_565 : vector<16xf32>
      %shift_right_arithmetic3A_567 = arith.constant 4 : i32
      %shift_right_arithmetic3A_568 = arith.shrsi %add3A, %shift_right_arithmetic3A_567 : i32
      %and3A_569 = arith.constant 1 : i32
      %and3A_570 = arith.andi %shift_right_arithmetic3A_568, %and3A_569 : i32
      %eq3A_571 = arith.constant 1 : i32
      %eq3A_572 = arith.cmpi eq, %and3A_570, %eq3A_571 : i32
      %select_n3A_573 = arith.select %eq3A_572, %add3A_562, %select_n3A_557 : vector<16xf32>
      %select_n3A_574 = arith.select %eq3A_572, %sub3A_566, %select_n3A_558 : vector<16xf32>
      %mul3A_575 = arith.mulf %select_n3A_573, %sub3A_361 : vector<16xf32>
      %mul3A_576 = arith.mulf %select_n3A_574, %mul3A_362 : vector<16xf32>
      %add3A_577 = arith.addf %mul3A_575, %mul3A_576 : vector<16xf32>
      %mul3A_578 = arith.mulf %select_n3A_574, %sub3A_361 : vector<16xf32>
      %mul3A_579 = arith.mulf %select_n3A_573, %mul3A_362 : vector<16xf32>
      %sub3A_580 = arith.subf %mul3A_578, %mul3A_579 : vector<16xf32>
      %mul3A_581 = arith.mulf %add3A_577, %sub3A_361 : vector<16xf32>
      %mul3A_582 = arith.mulf %sub3A_580, %mul3A_362 : vector<16xf32>
      %add3A_583 = arith.addf %mul3A_581, %mul3A_582 : vector<16xf32>
      %mul3A_584 = arith.mulf %sub3A_580, %sub3A_361 : vector<16xf32>
      %mul3A_585 = arith.mulf %add3A_577, %mul3A_362 : vector<16xf32>
      %sub3A_586 = arith.subf %mul3A_584, %mul3A_585 : vector<16xf32>
      %mul3A_587 = arith.mulf %add3A_583, %sub3A_361 : vector<16xf32>
      %mul3A_588 = arith.mulf %sub3A_586, %mul3A_362 : vector<16xf32>
      %add3A_589 = arith.addf %mul3A_587, %mul3A_588 : vector<16xf32>
      %mul3A_590 = arith.mulf %sub3A_586, %sub3A_361 : vector<16xf32>
      %mul3A_591 = arith.mulf %add3A_583, %mul3A_362 : vector<16xf32>
      %sub3A_592 = arith.subf %mul3A_590, %mul3A_591 : vector<16xf32>
      %sub3A_593 = arith.constant 1.000000e+00 : f32
      %sub3A_594 = vector.broadcast %sub3A_593 : f32 to vector<16xf32>
      %sub3A_595 = arith.subf %sub3A_594, %mul3A_386 : vector<16xf32>
      %scan3A_596 = arith.constant 0 : i32
      %scan3A_597 = arith.constant 32 : i32
      %scan3A_598 = arith.addi %scan3A_596, %scan3A_597 : i32
      %scan3A_599 = arith.constant 1 : i32
      %scan3A_600:8 = scf.for %scan3A_604 = %scan3A_596 to %scan3A_598 step %scan3A_599 iter_args(%scan3A_605 = %select_n3A_573, %scan3A_606 = %add3A_577, %scan3A_607 = %add3A_583, %scan3A_608 = %add3A_589, %scan3A_609 = %select_n3A_574, %scan3A_610 = %sub3A_580, %scan3A_611 = %sub3A_586, %scan3A_612 = %sub3A_592) -> (vector<16xf32>, vector<16xf32>, vector<16xf32>, vector<16xf32>, vector<16xf32>, vector<16xf32>, vector<16xf32>, vector<16xf32>)  : i32 {
        %mul3A_613 = arith.constant 4 : i32
        %mul3A_614 = arith.muli %scan3A_604, %mul3A_613 : i32
        %mul3A_615 = arith.constant 16 : i32
        %mul3A_616 = arith.muli %scan3A_318, %mul3A_615 : i32
        %add3A_617 = arith.constant 0 : i32
        %add3A_618 = arith.addi %mul3A_614, %add3A_617 : i32
        %swap3A = arith.index_cast %add3A_618 : i32 to index
        %swap3A_619 = arith.index_cast %mul3A_616 : i32 to index
        %swap3A_620 = tpu.vector_load %arg6[%swap3A, %swap3A_619] {strides = array<i32>} : memref<128x128xf32, #tpu.memory_space<vmem>>, vector<1x16xf32>,
        %swap3A_621 = vector.shape_cast %swap3A_620 : vector<1x16xf32> to vector<16xf32>
        %swap3A_622 = vector.shape_cast %scan3A_605 : vector<16xf32> to vector<1x16xf32>
        tpu.vector_store %arg6[%swap3A, %swap3A_619], %swap3A_622 {strides = array<i32>} : memref<128x128xf32, #tpu.memory_space<vmem>>, vector<1x16xf32>,
        %mul3A_623 = arith.mulf %scan3A_605, %sub3A_595 : vector<16xf32>
        %mul3A_624 = arith.mulf %scan3A_609, %sub3A_382 : vector<16xf32>
        %add3A_625 = arith.addf %mul3A_623, %mul3A_624 : vector<16xf32>
        %mul3A_626 = arith.mulf %scan3A_609, %sub3A_595 : vector<16xf32>
        %mul3A_627 = arith.mulf %scan3A_605, %sub3A_382 : vector<16xf32>
        %sub3A_628 = arith.subf %mul3A_626, %mul3A_627 : vector<16xf32>
        %add3A_629 = arith.constant 1 : i32
        %add3A_630 = arith.addi %mul3A_614, %add3A_629 : i32
        %swap3A_631 = arith.index_cast %add3A_630 : i32 to index
        %swap3A_632 = arith.index_cast %mul3A_616 : i32 to index
        %swap3A_633 = tpu.vector_load %arg6[%swap3A_631, %swap3A_632] {strides = array<i32>} : memref<128x128xf32, #tpu.memory_space<vmem>>, vector<1x16xf32>,
        %swap3A_634 = vector.shape_cast %swap3A_633 : vector<1x16xf32> to vector<16xf32>
        %swap3A_635 = vector.shape_cast %scan3A_606 : vector<16xf32> to vector<1x16xf32>
        tpu.vector_store %arg6[%swap3A_631, %swap3A_632], %swap3A_635 {strides = array<i32>} : memref<128x128xf32, #tpu.memory_space<vmem>>, vector<1x16xf32>,
        %mul3A_636 = arith.mulf %scan3A_606, %sub3A_595 : vector<16xf32>
        %mul3A_637 = arith.mulf %scan3A_610, %sub3A_382 : vector<16xf32>
        %add3A_638 = arith.addf %mul3A_636, %mul3A_637 : vector<16xf32>
        %mul3A_639 = arith.mulf %scan3A_610, %sub3A_595 : vector<16xf32>
        %mul3A_640 = arith.mulf %scan3A_606, %sub3A_382 : vector<16xf32>
        %sub3A_641 = arith.subf %mul3A_639, %mul3A_640 : vector<16xf32>
        %add3A_642 = arith.constant 2 : i32
        %add3A_643 = arith.addi %mul3A_614, %add3A_642 : i32
        %swap3A_644 = arith.index_cast %add3A_643 : i32 to index
        %swap3A_645 = arith.index_cast %mul3A_616 : i32 to index
        %swap3A_646 = tpu.vector_load %arg6[%swap3A_644, %swap3A_645] {strides = array<i32>} : memref<128x128xf32, #tpu.memory_space<vmem>>, vector<1x16xf32>,
        %swap3A_647 = vector.shape_cast %swap3A_646 : vector<1x16xf32> to vector<16xf32>
        %swap3A_648 = vector.shape_cast %scan3A_607 : vector<16xf32> to vector<1x16xf32>
        tpu.vector_store %arg6[%swap3A_644, %swap3A_645], %swap3A_648 {strides = array<i32>} : memref<128x128xf32, #tpu.memory_space<vmem>>, vector<1x16xf32>,
        %mul3A_649 = arith.mulf %scan3A_607, %sub3A_595 : vector<16xf32>
        %mul3A_650 = arith.mulf %scan3A_611, %sub3A_382 : vector<16xf32>
        %add3A_651 = arith.addf %mul3A_649, %mul3A_650 : vector<16xf32>
        %mul3A_652 = arith.mulf %scan3A_611, %sub3A_595 : vector<16xf32>
        %mul3A_653 = arith.mulf %scan3A_607, %sub3A_382 : vector<16xf32>
        %sub3A_654 = arith.subf %mul3A_652, %mul3A_653 : vector<16xf32>
        %add3A_655 = arith.constant 3 : i32
        %add3A_656 = arith.addi %mul3A_614, %add3A_655 : i32
        %swap3A_657 = arith.index_cast %add3A_656 : i32 to index
        %swap3A_658 = arith.index_cast %mul3A_616 : i32 to index
        %swap3A_659 = tpu.vector_load %arg6[%swap3A_657, %swap3A_658] {strides = array<i32>} : memref<128x128xf32, #tpu.memory_space<vmem>>, vector<1x16xf32>,
        %swap3A_660 = vector.shape_cast %swap3A_659 : vector<1x16xf32> to vector<16xf32>
        %swap3A_661 = vector.shape_cast %scan3A_608 : vector<16xf32> to vector<1x16xf32>
        tpu.vector_store %arg6[%swap3A_657, %swap3A_658], %swap3A_661 {strides = array<i32>} : memref<128x128xf32, #tpu.memory_space<vmem>>, vector<1x16xf32>,
        %mul3A_662 = arith.mulf %scan3A_608, %sub3A_595 : vector<16xf32>
        %mul3A_663 = arith.mulf %scan3A_612, %sub3A_382 : vector<16xf32>
        %add3A_664 = arith.addf %mul3A_662, %mul3A_663 : vector<16xf32>
        %mul3A_665 = arith.mulf %scan3A_612, %sub3A_595 : vector<16xf32>
        %mul3A_666 = arith.mulf %scan3A_608, %sub3A_382 : vector<16xf32>
        %sub3A_667 = arith.subf %mul3A_665, %mul3A_666 : vector<16xf32>
        scf.yield %add3A_625, %add3A_638, %add3A_651, %add3A_664, %sub3A_628, %sub3A_641, %sub3A_654, %sub3A_667 : vector<16xf32>, vector<16xf32>, vector<16xf32>, vector<16xf32>, vector<16xf32>, vector<16xf32>, vector<16xf32>, vector<16xf32>
      }
      %scan3A_601 = arith.constant 32 : i32
      %mul3A_602 = vector.broadcast %scan3A : f32 to vector<16xf32>
      %mul3A_603 = arith.mulf %scan3A_319, %mul3A_602 : vector<16xf32>
      scf.yield %mul3A_603 : vector<16xf32>
    }
    %scan3A_82 = arith.constant 8 : i32
    %dma_start3A_83 = arith.constant 1 : i32
    %dma_start3A_84 = arith.constant 1 : i32
    %dma_start3A_85 = arith.constant 0 : i32
    %dma_start3A_86 = arith.constant 0 : i32
    %dma_start3A_87 = tpu.memref_slice %arg7[%dma_start3A_84, %dma_start3A_85, %dma_start3A_86] : memref<2x128x128xf32, #tpu.memory_space<vmem>> -> memref<1x128x128xf32, #tpu.memory_space<vmem>>
    %dma_start3A_88 = tpu.memref_squeeze %dma_start3A_87 : memref<1x128x128xf32, #tpu.memory_space<vmem>> -> memref<128x128xf32, #tpu.memory_space<vmem>>
    %dma_start3A_89 = arith.constant 0 : i32
    %dma_start3A_90 = tpu.memref_slice %arg5[%dma_start3A_83, %dma_start3A_89] : memref<4x128xi32, #tpu.memory_space<vmem>> -> memref<1x128xi32, #tpu.memory_space<vmem>>
    %dma_start3A_91 = tpu.memref_squeeze %dma_start3A_90 : memref<1x128xi32, #tpu.memory_space<vmem>> -> memref<128xi32, #tpu.memory_space<vmem>>
    %dma_start3A_92 = arith.constant 0 : i32
    %dma_start3A_93 = arith.constant 0 : i32
    %dma_start3A_94 = tpu.memref_slice %arg3[%dma_start3A_92, %dma_start3A_93] : memref<100000x128xf32, #tpu.memory_space<hbm>> -> memref<100000x128xf32, #tpu.memory_space<hbm>>
    tpu.enqueue_indirect_dma source(%dma_start3A_94 : memref<100000x128xf32, #tpu.memory_space<hbm>>) target(%dma_start3A_88 : memref<128x128xf32, #tpu.memory_space<vmem>>) offsets(%dma_start3A_91 : memref<128xi32, #tpu.memory_space<vmem>>) semaphore(%arg8 : memref<!tpu.dma_semaphore, #tpu.memory_space<semaphore_mem>>)
    %dma_wait3A = arith.constant 0 : i32
    %dma_wait3A_95 = arith.constant 0 : i32
    %dma_wait3A_96 = arith.constant 0 : i32
    %dma_wait3A_97 = arith.constant 0 : i32
    %dma_wait3A_98 = tpu.memref_slice %arg7[%dma_wait3A_95, %dma_wait3A_96, %dma_wait3A_97] : memref<2x128x128xf32, #tpu.memory_space<vmem>> -> memref<1x128x128xf32, #tpu.memory_space<vmem>>
    %dma_wait3A_99 = tpu.memref_squeeze %dma_wait3A_98 : memref<1x128x128xf32, #tpu.memory_space<vmem>> -> memref<128x128xf32, #tpu.memory_space<vmem>>
    %dma_wait3A_100 = arith.constant 0 : i32
    %dma_wait3A_101 = tpu.memref_slice %arg5[%dma_wait3A, %dma_wait3A_100] : memref<4x128xi32, #tpu.memory_space<vmem>> -> memref<1x128xi32, #tpu.memory_space<vmem>>
    %dma_wait3A_102 = tpu.memref_squeeze %dma_wait3A_101 : memref<1x128xi32, #tpu.memory_space<vmem>> -> memref<128xi32, #tpu.memory_space<vmem>>
    %dma_wait3A_103 = arith.constant 0 : i32
    %dma_wait3A_104 = arith.constant 0 : i32
    %dma_wait3A_105 = tpu.memref_slice %arg3[%dma_wait3A_103, %dma_wait3A_104] : memref<100000x128xf32, #tpu.memory_space<hbm>> -> memref<100000x128xf32, #tpu.memory_space<hbm>>
    tpu.wait_indirect_dma semaphore(%arg8 : memref<!tpu.dma_semaphore, #tpu.memory_space<semaphore_mem>>) src(%dma_wait3A_105 : memref<100000x128xf32, #tpu.memory_space<hbm>>) dst(%dma_wait3A_99 : memref<128x128xf32, #tpu.memory_space<vmem>>)
    %scan3A_106 = arith.constant 0 : i32
    %scan3A_107 = arith.constant 0 : i32
    %scan3A_108 = arith.constant 128 : i32
    %scan3A_109 = arith.addi %scan3A_107, %scan3A_108 : i32
    %scan3A_110 = arith.constant 1 : i32
    scf.for %scan3A_318 = %scan3A_107 to %scan3A_109 step %scan3A_110  : i32 {
      %get3A = arith.index_cast %scan3A_318 : i32 to index
      %get3A_319 = arith.constant 0 : index
      %get3A_320 = tpu.vector_load %arg6[%get3A, %get3A_319] {strides = array<i32>} : memref<128x128xf32, #tpu.memory_space<vmem>>, vector<1x16xf32>,
      %get3A_321 = vector.shape_cast %get3A_320 : vector<1x16xf32> to vector<16xf32>
      %swap3A = arith.constant 0 : i32
      %swap3A_322 = arith.index_cast %swap3A : i32 to index
      %swap3A_323 = arith.index_cast %scan3A_318 : i32 to index
      %swap3A_324 = arith.constant 0 : index
      %swap3A_325 = tpu.vector_load %arg7[%swap3A_322, %swap3A_323, %swap3A_324] {strides = array<i32>} : memref<2x128x128xf32, #tpu.memory_space<vmem>>, vector<1x1x16xf32>,
      %swap3A_326 = vector.shape_cast %swap3A_325 : vector<1x1x16xf32> to vector<16xf32>
      %swap3A_327 = vector.shape_cast %get3A_321 : vector<16xf32> to vector<1x1x16xf32>
      tpu.vector_store %arg7[%swap3A_322, %swap3A_323, %swap3A_324], %swap3A_327 {add = true, strides = array<i32>} : memref<2x128x128xf32, #tpu.memory_space<vmem>>, vector<1x1x16xf32>,
      %get3A_328 = arith.index_cast %scan3A_318 : i32 to index
      %get3A_329 = arith.constant 16 : index
      %get3A_330 = tpu.vector_load %arg6[%get3A_328, %get3A_329] {strides = array<i32>} : memref<128x128xf32, #tpu.memory_space<vmem>>, vector<1x16xf32>,
      %get3A_331 = vector.shape_cast %get3A_330 : vector<1x16xf32> to vector<16xf32>
      %swap3A_332 = arith.constant 0 : i32
      %swap3A_333 = arith.index_cast %swap3A_332 : i32 to index
      %swap3A_334 = arith.index_cast %scan3A_318 : i32 to index
      %swap3A_335 = arith.constant 16 : index
      %swap3A_336 = tpu.vector_load %arg7[%swap3A_333, %swap3A_334, %swap3A_335] {strides = array<i32>} : memref<2x128x128xf32, #tpu.memory_space<vmem>>, vector<1x1x16xf32>,
      %swap3A_337 = vector.shape_cast %swap3A_336 : vector<1x1x16xf32> to vector<16xf32>
      %swap3A_338 = vector.shape_cast %get3A_331 : vector<16xf32> to vector<1x1x16xf32>
      tpu.vector_store %arg7[%swap3A_333, %swap3A_334, %swap3A_335], %swap3A_338 {add = true, strides = array<i32>} : memref<2x128x128xf32, #tpu.memory_space<vmem>>, vector<1x1x16xf32>,
      %get3A_339 = arith.index_cast %scan3A_318 : i32 to index
      %get3A_340 = arith.constant 32 : index
      %get3A_341 = tpu.vector_load %arg6[%get3A_339, %get3A_340] {strides = array<i32>} : memref<128x128xf32, #tpu.memory_space<vmem>>, vector<1x16xf32>,
      %get3A_342 = vector.shape_cast %get3A_341 : vector<1x16xf32> to vector<16xf32>
      %swap3A_343 = arith.constant 0 : i32
      %swap3A_344 = arith.index_cast %swap3A_343 : i32 to index
      %swap3A_345 = arith.index_cast %scan3A_318 : i32 to index
      %swap3A_346 = arith.constant 32 : index
      %swap3A_347 = tpu.vector_load %arg7[%swap3A_344, %swap3A_345, %swap3A_346] {strides = array<i32>} : memref<2x128x128xf32, #tpu.memory_space<vmem>>, vector<1x1x16xf32>,
      %swap3A_348 = vector.shape_cast %swap3A_347 : vector<1x1x16xf32> to vector<16xf32>
      %swap3A_349 = vector.shape_cast %get3A_342 : vector<16xf32> to vector<1x1x16xf32>
      tpu.vector_store %arg7[%swap3A_344, %swap3A_345, %swap3A_346], %swap3A_349 {add = true, strides = array<i32>} : memref<2x128x128xf32, #tpu.memory_space<vmem>>, vector<1x1x16xf32>,
      %get3A_350 = arith.index_cast %scan3A_318 : i32 to index
      %get3A_351 = arith.constant 48 : index
      %get3A_352 = tpu.vector_load %arg6[%get3A_350, %get3A_351] {strides = array<i32>} : memref<128x128xf32, #tpu.memory_space<vmem>>, vector<1x16xf32>,
      %get3A_353 = vector.shape_cast %get3A_352 : vector<1x16xf32> to vector<16xf32>
      %swap3A_354 = arith.constant 0 : i32
      %swap3A_355 = arith.index_cast %swap3A_354 : i32 to index
      %swap3A_356 = arith.index_cast %scan3A_318 : i32 to index
      %swap3A_357 = arith.constant 48 : index
      %swap3A_358 = tpu.vector_load %arg7[%swap3A_355, %swap3A_356, %swap3A_357] {strides = array<i32>} : memref<2x128x128xf32, #tpu.memory_space<vmem>>, vector<1x1x16xf32>,
      %swap3A_359 = vector.shape_cast %swap3A_358 : vector<1x1x16xf32> to vector<16xf32>
      %swap3A_360 = vector.shape_cast %get3A_353 : vector<16xf32> to vector<1x1x16xf32>
      tpu.vector_store %arg7[%swap3A_355, %swap3A_356, %swap3A_357], %swap3A_360 {add = true, strides = array<i32>} : memref<2x128x128xf32, #tpu.memory_space<vmem>>, vector<1x1x16xf32>,
      %get3A_361 = arith.index_cast %scan3A_318 : i32 to index
      %get3A_362 = arith.constant 64 : index
      %get3A_363 = tpu.vector_load %arg6[%get3A_361, %get3A_362] {strides = array<i32>} : memref<128x128xf32, #tpu.memory_space<vmem>>, vector<1x16xf32>,
      %get3A_364 = vector.shape_cast %get3A_363 : vector<1x16xf32> to vector<16xf32>
      %swap3A_365 = arith.constant 0 : i32
      %swap3A_366 = arith.index_cast %swap3A_365 : i32 to index
      %swap3A_367 = arith.index_cast %scan3A_318 : i32 to index
      %swap3A_368 = arith.constant 64 : index
      %swap3A_369 = tpu.vector_load %arg7[%swap3A_366, %swap3A_367, %swap3A_368] {strides = array<i32>} : memref<2x128x128xf32, #tpu.memory_space<vmem>>, vector<1x1x16xf32>,
      %swap3A_370 = vector.shape_cast %swap3A_369 : vector<1x1x16xf32> to vector<16xf32>
      %swap3A_371 = vector.shape_cast %get3A_364 : vector<16xf32> to vector<1x1x16xf32>
      tpu.vector_store %arg7[%swap3A_366, %swap3A_367, %swap3A_368], %swap3A_371 {add = true, strides = array<i32>} : memref<2x128x128xf32, #tpu.memory_space<vmem>>, vector<1x1x16xf32>,
      %get3A_372 = arith.index_cast %scan3A_318 : i32 to index
      %get3A_373 = arith.constant 80 : index
      %get3A_374 = tpu.vector_load %arg6[%get3A_372, %get3A_373] {strides = array<i32>} : memref<128x128xf32, #tpu.memory_space<vmem>>, vector<1x16xf32>,
      %get3A_375 = vector.shape_cast %get3A_374 : vector<1x16xf32> to vector<16xf32>
      %swap3A_376 = arith.constant 0 : i32
      %swap3A_377 = arith.index_cast %swap3A_376 : i32 to index
      %swap3A_378 = arith.index_cast %scan3A_318 : i32 to index
      %swap3A_379 = arith.constant 80 : index
      %swap3A_380 = tpu.vector_load %arg7[%swap3A_377, %swap3A_378, %swap3A_379] {strides = array<i32>} : memref<2x128x128xf32, #tpu.memory_space<vmem>>, vector<1x1x16xf32>,
      %swap3A_381 = vector.shape_cast %swap3A_380 : vector<1x1x16xf32> to vector<16xf32>
      %swap3A_382 = vector.shape_cast %get3A_375 : vector<16xf32> to vector<1x1x16xf32>
      tpu.vector_store %arg7[%swap3A_377, %swap3A_378, %swap3A_379], %swap3A_382 {add = true, strides = array<i32>} : memref<2x128x128xf32, #tpu.memory_space<vmem>>, vector<1x1x16xf32>,
      %get3A_383 = arith.index_cast %scan3A_318 : i32 to index
      %get3A_384 = arith.constant 96 : index
      %get3A_385 = tpu.vector_load %arg6[%get3A_383, %get3A_384] {strides = array<i32>} : memref<128x128xf32, #tpu.memory_space<vmem>>, vector<1x16xf32>,
      %get3A_386 = vector.shape_cast %get3A_385 : vector<1x16xf32> to vector<16xf32>
      %swap3A_387 = arith.constant 0 : i32
      %swap3A_388 = arith.index_cast %swap3A_387 : i32 to index
      %swap3A_389 = arith.index_cast %scan3A_318 : i32 to index
      %swap3A_390 = arith.constant 96 : index
      %swap3A_391 = tpu.vector_load %arg7[%swap3A_388, %swap3A_389, %swap3A_390] {strides = array<i32>} : memref<2x128x128xf32, #tpu.memory_space<vmem>>, vector<1x1x16xf32>,
      %swap3A_392 = vector.shape_cast %swap3A_391 : vector<1x1x16xf32> to vector<16xf32>
      %swap3A_393 = vector.shape_cast %get3A_386 : vector<16xf32> to vector<1x1x16xf32>
      tpu.vector_store %arg7[%swap3A_388, %swap3A_389, %swap3A_390], %swap3A_393 {add = true, strides = array<i32>} : memref<2x128x128xf32, #tpu.memory_space<vmem>>, vector<1x1x16xf32>,
      %get3A_394 = arith.index_cast %scan3A_318 : i32 to index
      %get3A_395 = arith.constant 112 : index
      %get3A_396 = tpu.vector_load %arg6[%get3A_394, %get3A_395] {strides = array<i32>} : memref<128x128xf32, #tpu.memory_space<vmem>>, vector<1x16xf32>,
      %get3A_397 = vector.shape_cast %get3A_396 : vector<1x16xf32> to vector<16xf32>
      %swap3A_398 = arith.constant 0 : i32
      %swap3A_399 = arith.index_cast %swap3A_398 : i32 to index
      %swap3A_400 = arith.index_cast %scan3A_318 : i32 to index
      %swap3A_401 = arith.constant 112 : index
      %swap3A_402 = tpu.vector_load %arg7[%swap3A_399, %swap3A_400, %swap3A_401] {strides = array<i32>} : memref<2x128x128xf32, #tpu.memory_space<vmem>>, vector<1x1x16xf32>,
      %swap3A_403 = vector.shape_cast %swap3A_402 : vector<1x1x16xf32> to vector<16xf32>
      %swap3A_404 = vector.shape_cast %get3A_397 : vector<16xf32> to vector<1x1x16xf32>
      tpu.vector_store %arg7[%swap3A_399, %swap3A_400, %swap3A_401], %swap3A_404 {add = true, strides = array<i32>} : memref<2x128x128xf32, #tpu.memory_space<vmem>>, vector<1x1x16xf32>,
    }
    %scan3A_111 = arith.constant 128 : i32
    %dma_start3A_112 = arith.constant 0 : i32
    %dma_start3A_113 = arith.constant 0 : i32
    %dma_start3A_114 = arith.constant 0 : i32
    %dma_start3A_115 = arith.constant 0 : i32
    %dma_start3A_116 = tpu.memref_slice %arg7[%dma_start3A_112, %dma_start3A_114, %dma_start3A_115] : memref<2x128x128xf32, #tpu.memory_space<vmem>> -> memref<1x128x128xf32, #tpu.memory_space<vmem>>
    %dma_start3A_117 = tpu.memref_squeeze %dma_start3A_116 : memref<1x128x128xf32, #tpu.memory_space<vmem>> -> memref<128x128xf32, #tpu.memory_space<vmem>>
    %dma_start3A_118 = arith.constant 0 : i32
    %dma_start3A_119 = tpu.memref_slice %arg4[%dma_start3A_113, %mul3A_2, %dma_start3A_118] : memref<4x4096x128xf32, #tpu.memory_space<hbm>> -> memref<1x128x128xf32, #tpu.memory_space<hbm>>
    %dma_start3A_120 = tpu.memref_squeeze %dma_start3A_119 : memref<1x128x128xf32, #tpu.memory_space<hbm>> -> memref<128x128xf32, #tpu.memory_space<hbm>>
    %dma_start3A_121 = arith.constant 0 : i32
    %dma_start3A_122 = tpu.memref_slice %arg4[%dma_start3A_113, %mul3A_2, %dma_start3A_121] : memref<4x4096x128xf32, #tpu.memory_space<hbm>> -> memref<1x128x128xf32, #tpu.memory_space<hbm>>
    %dma_start3A_123 = tpu.memref_squeeze %dma_start3A_122 : memref<1x128x128xf32, #tpu.memory_space<hbm>> -> memref<128x128xf32, #tpu.memory_space<hbm>>
    %dma_start3A_124 = arith.constant 0 : i32
    %dma_start3A_125 = arith.constant 0 : i32
    %dma_start3A_126 = tpu.memref_slice %arg7[%dma_start3A_112, %dma_start3A_124, %dma_start3A_125] : memref<2x128x128xf32, #tpu.memory_space<vmem>> -> memref<1x128x128xf32, #tpu.memory_space<vmem>>
    %dma_start3A_127 = tpu.memref_squeeze %dma_start3A_126 : memref<1x128x128xf32, #tpu.memory_space<vmem>> -> memref<128x128xf32, #tpu.memory_space<vmem>>
    tpu.enqueue_dma source(%dma_start3A_127 : memref<128x128xf32, #tpu.memory_space<vmem>>) target(%dma_start3A_123 : memref<128x128xf32, #tpu.memory_space<hbm>>) target_semaphore(%arg9 : memref<!tpu.dma_semaphore, #tpu.memory_space<semaphore_mem>>)
    %dma_wait3A_128 = arith.constant 0 : i32
    %dma_wait3A_129 = arith.constant 0 : i32
    %dma_wait3A_130 = arith.constant 0 : i32
    %dma_wait3A_131 = arith.constant 0 : i32
    %dma_wait3A_132 = tpu.memref_slice %arg7[%dma_wait3A_128, %dma_wait3A_130, %dma_wait3A_131] : memref<2x128x128xf32, #tpu.memory_space<vmem>> -> memref<1x128x128xf32, #tpu.memory_space<vmem>>
    %dma_wait3A_133 = tpu.memref_squeeze %dma_wait3A_132 : memref<1x128x128xf32, #tpu.memory_space<vmem>> -> memref<128x128xf32, #tpu.memory_space<vmem>>
    %dma_wait3A_134 = arith.constant 0 : i32
    %dma_wait3A_135 = tpu.memref_slice %arg4[%dma_wait3A_129, %mul3A_2, %dma_wait3A_134] : memref<4x4096x128xf32, #tpu.memory_space<hbm>> -> memref<1x128x128xf32, #tpu.memory_space<hbm>>
    %dma_wait3A_136 = tpu.memref_squeeze %dma_wait3A_135 : memref<1x128x128xf32, #tpu.memory_space<hbm>> -> memref<128x128xf32, #tpu.memory_space<hbm>>
    %dma_wait3A_137 = arith.constant 0 : i32
    %dma_wait3A_138 = tpu.memref_slice %arg4[%dma_wait3A_129, %mul3A_2, %dma_wait3A_137] : memref<4x4096x128xf32, #tpu.memory_space<hbm>> -> memref<1x128x128xf32, #tpu.memory_space<hbm>>
    %dma_wait3A_139 = tpu.memref_squeeze %dma_wait3A_138 : memref<1x128x128xf32, #tpu.memory_space<hbm>> -> memref<128x128xf32, #tpu.memory_space<hbm>>
    %dma_wait3A_140 = arith.constant 0 : i32
    %dma_wait3A_141 = arith.constant 0 : i32
    %dma_wait3A_142 = tpu.memref_slice %arg7[%dma_wait3A_128, %dma_wait3A_140, %dma_wait3A_141] : memref<2x128x128xf32, #tpu.memory_space<vmem>> -> memref<1x128x128xf32, #tpu.memory_space<vmem>>
    %dma_wait3A_143 = tpu.memref_squeeze %dma_wait3A_142 : memref<1x128x128xf32, #tpu.memory_space<vmem>> -> memref<128x128xf32, #tpu.memory_space<vmem>>
    tpu.wait_dma2 semaphore(%arg9 : memref<!tpu.dma_semaphore, #tpu.memory_space<semaphore_mem>>) src(%dma_wait3A_143 : memref<128x128xf32, #tpu.memory_space<vmem>>) dst(%dma_wait3A_139 : memref<128x128xf32, #tpu.memory_space<hbm>>)
    %dma_start3A_144 = arith.constant 2 : i32
    %dma_start3A_145 = arith.constant 0 : i32
    %dma_start3A_146 = arith.constant 0 : i32
    %dma_start3A_147 = arith.constant 0 : i32
    %dma_start3A_148 = tpu.memref_slice %arg7[%dma_start3A_145, %dma_start3A_146, %dma_start3A_147] : memref<2x128x128xf32, #tpu.memory_space<vmem>> -> memref<1x128x128xf32, #tpu.memory_space<vmem>>
    %dma_start3A_149 = tpu.memref_squeeze %dma_start3A_148 : memref<1x128x128xf32, #tpu.memory_space<vmem>> -> memref<128x128xf32, #tpu.memory_space<vmem>>
    %dma_start3A_150 = arith.constant 0 : i32
    %dma_start3A_151 = tpu.memref_slice %arg5[%dma_start3A_144, %dma_start3A_150] : memref<4x128xi32, #tpu.memory_space<vmem>> -> memref<1x128xi32, #tpu.memory_space<vmem>>
    %dma_start3A_152 = tpu.memref_squeeze %dma_start3A_151 : memref<1x128xi32, #tpu.memory_space<vmem>> -> memref<128xi32, #tpu.memory_space<vmem>>
    %dma_start3A_153 = arith.constant 0 : i32
    %dma_start3A_154 = arith.constant 0 : i32
    %dma_start3A_155 = tpu.memref_slice %arg3[%dma_start3A_153, %dma_start3A_154] : memref<100000x128xf32, #tpu.memory_space<hbm>> -> memref<100000x128xf32, #tpu.memory_space<hbm>>
    tpu.enqueue_indirect_dma source(%dma_start3A_155 : memref<100000x128xf32, #tpu.memory_space<hbm>>) target(%dma_start3A_149 : memref<128x128xf32, #tpu.memory_space<vmem>>) offsets(%dma_start3A_152 : memref<128xi32, #tpu.memory_space<vmem>>) semaphore(%arg8 : memref<!tpu.dma_semaphore, #tpu.memory_space<semaphore_mem>>)
    %dma_wait3A_156 = arith.constant 1 : i32
    %dma_wait3A_157 = arith.constant 1 : i32
    %dma_wait3A_158 = arith.constant 0 : i32
    %dma_wait3A_159 = arith.constant 0 : i32
    %dma_wait3A_160 = tpu.memref_slice %arg7[%dma_wait3A_157, %dma_wait3A_158, %dma_wait3A_159] : memref<2x128x128xf32, #tpu.memory_space<vmem>> -> memref<1x128x128xf32, #tpu.memory_space<vmem>>
    %dma_wait3A_161 = tpu.memref_squeeze %dma_wait3A_160 : memref<1x128x128xf32, #tpu.memory_space<vmem>> -> memref<128x128xf32, #tpu.memory_space<vmem>>
    %dma_wait3A_162 = arith.constant 0 : i32
    %dma_wait3A_163 = tpu.memref_slice %arg5[%dma_wait3A_156, %dma_wait3A_162] : memref<4x128xi32, #tpu.memory_space<vmem>> -> memref<1x128xi32, #tpu.memory_space<vmem>>
    %dma_wait3A_164 = tpu.memref_squeeze %dma_wait3A_163 : memref<1x128xi32, #tpu.memory_space<vmem>> -> memref<128xi32, #tpu.memory_space<vmem>>
    %dma_wait3A_165 = arith.constant 0 : i32
    %dma_wait3A_166 = arith.constant 0 : i32
    %dma_wait3A_167 = tpu.memref_slice %arg3[%dma_wait3A_165, %dma_wait3A_166] : memref<100000x128xf32, #tpu.memory_space<hbm>> -> memref<100000x128xf32, #tpu.memory_space<hbm>>
    tpu.wait_indirect_dma semaphore(%arg8 : memref<!tpu.dma_semaphore, #tpu.memory_space<semaphore_mem>>) src(%dma_wait3A_167 : memref<100000x128xf32, #tpu.memory_space<hbm>>) dst(%dma_wait3A_161 : memref<128x128xf32, #tpu.memory_space<vmem>>)
    %scan3A_168 = arith.constant 0 : i32
    %scan3A_169 = arith.constant 0 : i32
    %scan3A_170 = arith.constant 128 : i32
    %scan3A_171 = arith.addi %scan3A_169, %scan3A_170 : i32
    %scan3A_172 = arith.constant 1 : i32
    scf.for %scan3A_318 = %scan3A_169 to %scan3A_171 step %scan3A_172  : i32 {
      %get3A = arith.index_cast %scan3A_318 : i32 to index
      %get3A_319 = arith.constant 0 : index
      %get3A_320 = tpu.vector_load %arg6[%get3A, %get3A_319] {strides = array<i32>} : memref<128x128xf32, #tpu.memory_space<vmem>>, vector<1x16xf32>,
      %get3A_321 = vector.shape_cast %get3A_320 : vector<1x16xf32> to vector<16xf32>
      %swap3A = arith.constant 1 : i32
      %swap3A_322 = arith.index_cast %swap3A : i32 to index
      %swap3A_323 = arith.index_cast %scan3A_318 : i32 to index
      %swap3A_324 = arith.constant 0 : index
      %swap3A_325 = tpu.vector_load %arg7[%swap3A_322, %swap3A_323, %swap3A_324] {strides = array<i32>} : memref<2x128x128xf32, #tpu.memory_space<vmem>>, vector<1x1x16xf32>,
      %swap3A_326 = vector.shape_cast %swap3A_325 : vector<1x1x16xf32> to vector<16xf32>
      %swap3A_327 = vector.shape_cast %get3A_321 : vector<16xf32> to vector<1x1x16xf32>
      tpu.vector_store %arg7[%swap3A_322, %swap3A_323, %swap3A_324], %swap3A_327 {add = true, strides = array<i32>} : memref<2x128x128xf32, #tpu.memory_space<vmem>>, vector<1x1x16xf32>,
      %get3A_328 = arith.index_cast %scan3A_318 : i32 to index
      %get3A_329 = arith.constant 16 : index
      %get3A_330 = tpu.vector_load %arg6[%get3A_328, %get3A_329] {strides = array<i32>} : memref<128x128xf32, #tpu.memory_space<vmem>>, vector<1x16xf32>,
      %get3A_331 = vector.shape_cast %get3A_330 : vector<1x16xf32> to vector<16xf32>
      %swap3A_332 = arith.constant 1 : i32
      %swap3A_333 = arith.index_cast %swap3A_332 : i32 to index
      %swap3A_334 = arith.index_cast %scan3A_318 : i32 to index
      %swap3A_335 = arith.constant 16 : index
      %swap3A_336 = tpu.vector_load %arg7[%swap3A_333, %swap3A_334, %swap3A_335] {strides = array<i32>} : memref<2x128x128xf32, #tpu.memory_space<vmem>>, vector<1x1x16xf32>,
      %swap3A_337 = vector.shape_cast %swap3A_336 : vector<1x1x16xf32> to vector<16xf32>
      %swap3A_338 = vector.shape_cast %get3A_331 : vector<16xf32> to vector<1x1x16xf32>
      tpu.vector_store %arg7[%swap3A_333, %swap3A_334, %swap3A_335], %swap3A_338 {add = true, strides = array<i32>} : memref<2x128x128xf32, #tpu.memory_space<vmem>>, vector<1x1x16xf32>,
      %get3A_339 = arith.index_cast %scan3A_318 : i32 to index
      %get3A_340 = arith.constant 32 : index
      %get3A_341 = tpu.vector_load %arg6[%get3A_339, %get3A_340] {strides = array<i32>} : memref<128x128xf32, #tpu.memory_space<vmem>>, vector<1x16xf32>,
      %get3A_342 = vector.shape_cast %get3A_341 : vector<1x16xf32> to vector<16xf32>
      %swap3A_343 = arith.constant 1 : i32
      %swap3A_344 = arith.index_cast %swap3A_343 : i32 to index
      %swap3A_345 = arith.index_cast %scan3A_318 : i32 to index
      %swap3A_346 = arith.constant 32 : index
      %swap3A_347 = tpu.vector_load %arg7[%swap3A_344, %swap3A_345, %swap3A_346] {strides = array<i32>} : memref<2x128x128xf32, #tpu.memory_space<vmem>>, vector<1x1x16xf32>,
      %swap3A_348 = vector.shape_cast %swap3A_347 : vector<1x1x16xf32> to vector<16xf32>
      %swap3A_349 = vector.shape_cast %get3A_342 : vector<16xf32> to vector<1x1x16xf32>
      tpu.vector_store %arg7[%swap3A_344, %swap3A_345, %swap3A_346], %swap3A_349 {add = true, strides = array<i32>} : memref<2x128x128xf32, #tpu.memory_space<vmem>>, vector<1x1x16xf32>,
      %get3A_350 = arith.index_cast %scan3A_318 : i32 to index
      %get3A_351 = arith.constant 48 : index
      %get3A_352 = tpu.vector_load %arg6[%get3A_350, %get3A_351] {strides = array<i32>} : memref<128x128xf32, #tpu.memory_space<vmem>>, vector<1x16xf32>,
      %get3A_353 = vector.shape_cast %get3A_352 : vector<1x16xf32> to vector<16xf32>
      %swap3A_354 = arith.constant 1 : i32
      %swap3A_355 = arith.index_cast %swap3A_354 : i32 to index
      %swap3A_356 = arith.index_cast %scan3A_318 : i32 to index
      %swap3A_357 = arith.constant 48 : index
      %swap3A_358 = tpu.vector_load %arg7[%swap3A_355, %swap3A_356, %swap3A_357] {strides = array<i32>} : memref<2x128x128xf32, #tpu.memory_space<vmem>>, vector<1x1x16xf32>,
      %swap3A_359 = vector.shape_cast %swap3A_358 : vector<1x1x16xf32> to vector<16xf32>
      %swap3A_360 = vector.shape_cast %get3A_353 : vector<16xf32> to vector<1x1x16xf32>
      tpu.vector_store %arg7[%swap3A_355, %swap3A_356, %swap3A_357], %swap3A_360 {add = true, strides = array<i32>} : memref<2x128x128xf32, #tpu.memory_space<vmem>>, vector<1x1x16xf32>,
      %get3A_361 = arith.index_cast %scan3A_318 : i32 to index
      %get3A_362 = arith.constant 64 : index
      %get3A_363 = tpu.vector_load %arg6[%get3A_361, %get3A_362] {strides = array<i32>} : memref<128x128xf32, #tpu.memory_space<vmem>>, vector<1x16xf32>,
      %get3A_364 = vector.shape_cast %get3A_363 : vector<1x16xf32> to vector<16xf32>
      %swap3A_365 = arith.constant 1 : i32
      %swap3A_366 = arith.index_cast %swap3A_365 : i32 to index
      %swap3A_367 = arith.index_cast %scan3A_318 : i32 to index
      %swap3A_368 = arith.constant 64 : index
      %swap3A_369 = tpu.vector_load %arg7[%swap3A_366, %swap3A_367, %swap3A_368] {strides = array<i32>} : memref<2x128x128xf32, #tpu.memory_space<vmem>>, vector<1x1x16xf32>,
      %swap3A_370 = vector.shape_cast %swap3A_369 : vector<1x1x16xf32> to vector<16xf32>
      %swap3A_371 = vector.shape_cast %get3A_364 : vector<16xf32> to vector<1x1x16xf32>
      tpu.vector_store %arg7[%swap3A_366, %swap3A_367, %swap3A_368], %swap3A_371 {add = true, strides = array<i32>} : memref<2x128x128xf32, #tpu.memory_space<vmem>>, vector<1x1x16xf32>,
      %get3A_372 = arith.index_cast %scan3A_318 : i32 to index
      %get3A_373 = arith.constant 80 : index
      %get3A_374 = tpu.vector_load %arg6[%get3A_372, %get3A_373] {strides = array<i32>} : memref<128x128xf32, #tpu.memory_space<vmem>>, vector<1x16xf32>,
      %get3A_375 = vector.shape_cast %get3A_374 : vector<1x16xf32> to vector<16xf32>
      %swap3A_376 = arith.constant 1 : i32
      %swap3A_377 = arith.index_cast %swap3A_376 : i32 to index
      %swap3A_378 = arith.index_cast %scan3A_318 : i32 to index
      %swap3A_379 = arith.constant 80 : index
      %swap3A_380 = tpu.vector_load %arg7[%swap3A_377, %swap3A_378, %swap3A_379] {strides = array<i32>} : memref<2x128x128xf32, #tpu.memory_space<vmem>>, vector<1x1x16xf32>,
      %swap3A_381 = vector.shape_cast %swap3A_380 : vector<1x1x16xf32> to vector<16xf32>
      %swap3A_382 = vector.shape_cast %get3A_375 : vector<16xf32> to vector<1x1x16xf32>
      tpu.vector_store %arg7[%swap3A_377, %swap3A_378, %swap3A_379], %swap3A_382 {add = true, strides = array<i32>} : memref<2x128x128xf32, #tpu.memory_space<vmem>>, vector<1x1x16xf32>,
      %get3A_383 = arith.index_cast %scan3A_318 : i32 to index
      %get3A_384 = arith.constant 96 : index
      %get3A_385 = tpu.vector_load %arg6[%get3A_383, %get3A_384] {strides = array<i32>} : memref<128x128xf32, #tpu.memory_space<vmem>>, vector<1x16xf32>,
      %get3A_386 = vector.shape_cast %get3A_385 : vector<1x16xf32> to vector<16xf32>
      %swap3A_387 = arith.constant 1 : i32
      %swap3A_388 = arith.index_cast %swap3A_387 : i32 to index
      %swap3A_389 = arith.index_cast %scan3A_318 : i32 to index
      %swap3A_390 = arith.constant 96 : index
      %swap3A_391 = tpu.vector_load %arg7[%swap3A_388, %swap3A_389, %swap3A_390] {strides = array<i32>} : memref<2x128x128xf32, #tpu.memory_space<vmem>>, vector<1x1x16xf32>,
      %swap3A_392 = vector.shape_cast %swap3A_391 : vector<1x1x16xf32> to vector<16xf32>
      %swap3A_393 = vector.shape_cast %get3A_386 : vector<16xf32> to vector<1x1x16xf32>
      tpu.vector_store %arg7[%swap3A_388, %swap3A_389, %swap3A_390], %swap3A_393 {add = true, strides = array<i32>} : memref<2x128x128xf32, #tpu.memory_space<vmem>>, vector<1x1x16xf32>,
      %get3A_394 = arith.index_cast %scan3A_318 : i32 to index
      %get3A_395 = arith.constant 112 : index
      %get3A_396 = tpu.vector_load %arg6[%get3A_394, %get3A_395] {strides = array<i32>} : memref<128x128xf32, #tpu.memory_space<vmem>>, vector<1x16xf32>,
      %get3A_397 = vector.shape_cast %get3A_396 : vector<1x16xf32> to vector<16xf32>
      %swap3A_398 = arith.constant 1 : i32
      %swap3A_399 = arith.index_cast %swap3A_398 : i32 to index
      %swap3A_400 = arith.index_cast %scan3A_318 : i32 to index
      %swap3A_401 = arith.constant 112 : index
      %swap3A_402 = tpu.vector_load %arg7[%swap3A_399, %swap3A_400, %swap3A_401] {strides = array<i32>} : memref<2x128x128xf32, #tpu.memory_space<vmem>>, vector<1x1x16xf32>,
      %swap3A_403 = vector.shape_cast %swap3A_402 : vector<1x1x16xf32> to vector<16xf32>
      %swap3A_404 = vector.shape_cast %get3A_397 : vector<16xf32> to vector<1x1x16xf32>
      tpu.vector_store %arg7[%swap3A_399, %swap3A_400, %swap3A_401], %swap3A_404 {add = true, strides = array<i32>} : memref<2x128x128xf32, #tpu.memory_space<vmem>>, vector<1x1x16xf32>,
    }
    %scan3A_173 = arith.constant 128 : i32
    %dma_start3A_174 = arith.constant 1 : i32
    %dma_start3A_175 = arith.constant 1 : i32
    %dma_start3A_176 = arith.constant 0 : i32
    %dma_start3A_177 = arith.constant 0 : i32
    %dma_start3A_178 = tpu.memref_slice %arg7[%dma_start3A_174, %dma_start3A_176, %dma_start3A_177] : memref<2x128x128xf32, #tpu.memory_space<vmem>> -> memref<1x128x128xf32, #tpu.memory_space<vmem>>
    %dma_start3A_179 = tpu.memref_squeeze %dma_start3A_178 : memref<1x128x128xf32, #tpu.memory_space<vmem>> -> memref<128x128xf32, #tpu.memory_space<vmem>>
    %dma_start3A_180 = arith.constant 0 : i32
    %dma_start3A_181 = tpu.memref_slice %arg4[%dma_start3A_175, %mul3A_2, %dma_start3A_180] : memref<4x4096x128xf32, #tpu.memory_space<hbm>> -> memref<1x128x128xf32, #tpu.memory_space<hbm>>
    %dma_start3A_182 = tpu.memref_squeeze %dma_start3A_181 : memref<1x128x128xf32, #tpu.memory_space<hbm>> -> memref<128x128xf32, #tpu.memory_space<hbm>>
    %dma_start3A_183 = arith.constant 0 : i32
    %dma_start3A_184 = tpu.memref_slice %arg4[%dma_start3A_175, %mul3A_2, %dma_start3A_183] : memref<4x4096x128xf32, #tpu.memory_space<hbm>> -> memref<1x128x128xf32, #tpu.memory_space<hbm>>
    %dma_start3A_185 = tpu.memref_squeeze %dma_start3A_184 : memref<1x128x128xf32, #tpu.memory_space<hbm>> -> memref<128x128xf32, #tpu.memory_space<hbm>>
    %dma_start3A_186 = arith.constant 0 : i32
    %dma_start3A_187 = arith.constant 0 : i32
    %dma_start3A_188 = tpu.memref_slice %arg7[%dma_start3A_174, %dma_start3A_186, %dma_start3A_187] : memref<2x128x128xf32, #tpu.memory_space<vmem>> -> memref<1x128x128xf32, #tpu.memory_space<vmem>>
    %dma_start3A_189 = tpu.memref_squeeze %dma_start3A_188 : memref<1x128x128xf32, #tpu.memory_space<vmem>> -> memref<128x128xf32, #tpu.memory_space<vmem>>
    tpu.enqueue_dma source(%dma_start3A_189 : memref<128x128xf32, #tpu.memory_space<vmem>>) target(%dma_start3A_185 : memref<128x128xf32, #tpu.memory_space<hbm>>) target_semaphore(%arg9 : memref<!tpu.dma_semaphore, #tpu.memory_space<semaphore_mem>>)
    %dma_wait3A_190 = arith.constant 1 : i32
    %dma_wait3A_191 = arith.constant 1 : i32
    %dma_wait3A_192 = arith.constant 0 : i32
    %dma_wait3A_193 = arith.constant 0 : i32
    %dma_wait3A_194 = tpu.memref_slice %arg7[%dma_wait3A_190, %dma_wait3A_192, %dma_wait3A_193] : memref<2x128x128xf32, #tpu.memory_space<vmem>> -> memref<1x128x128xf32, #tpu.memory_space<vmem>>
    %dma_wait3A_195 = tpu.memref_squeeze %dma_wait3A_194 : memref<1x128x128xf32, #tpu.memory_space<vmem>> -> memref<128x128xf32, #tpu.memory_space<vmem>>
    %dma_wait3A_196 = arith.constant 0 : i32
    %dma_wait3A_197 = tpu.memref_slice %arg4[%dma_wait3A_191, %mul3A_2, %dma_wait3A_196] : memref<4x4096x128xf32, #tpu.memory_space<hbm>> -> memref<1x128x128xf32, #tpu.memory_space<hbm>>
    %dma_wait3A_198 = tpu.memref_squeeze %dma_wait3A_197 : memref<1x128x128xf32, #tpu.memory_space<hbm>> -> memref<128x128xf32, #tpu.memory_space<hbm>>
    %dma_wait3A_199 = arith.constant 0 : i32
    %dma_wait3A_200 = tpu.memref_slice %arg4[%dma_wait3A_191, %mul3A_2, %dma_wait3A_199] : memref<4x4096x128xf32, #tpu.memory_space<hbm>> -> memref<1x128x128xf32, #tpu.memory_space<hbm>>
    %dma_wait3A_201 = tpu.memref_squeeze %dma_wait3A_200 : memref<1x128x128xf32, #tpu.memory_space<hbm>> -> memref<128x128xf32, #tpu.memory_space<hbm>>
    %dma_wait3A_202 = arith.constant 0 : i32
    %dma_wait3A_203 = arith.constant 0 : i32
    %dma_wait3A_204 = tpu.memref_slice %arg7[%dma_wait3A_190, %dma_wait3A_202, %dma_wait3A_203] : memref<2x128x128xf32, #tpu.memory_space<vmem>> -> memref<1x128x128xf32, #tpu.memory_space<vmem>>
    %dma_wait3A_205 = tpu.memref_squeeze %dma_wait3A_204 : memref<1x128x128xf32, #tpu.memory_space<vmem>> -> memref<128x128xf32, #tpu.memory_space<vmem>>
    tpu.wait_dma2 semaphore(%arg9 : memref<!tpu.dma_semaphore, #tpu.memory_space<semaphore_mem>>) src(%dma_wait3A_205 : memref<128x128xf32, #tpu.memory_space<vmem>>) dst(%dma_wait3A_201 : memref<128x128xf32, #tpu.memory_space<hbm>>)
    %dma_start3A_206 = arith.constant 3 : i32
    %dma_start3A_207 = arith.constant 1 : i32
    %dma_start3A_208 = arith.constant 0 : i32
    %dma_start3A_209 = arith.constant 0 : i32
    %dma_start3A_210 = tpu.memref_slice %arg7[%dma_start3A_207, %dma_start3A_208, %dma_start3A_209] : memref<2x128x128xf32, #tpu.memory_space<vmem>> -> memref<1x128x128xf32, #tpu.memory_space<vmem>>
    %dma_start3A_211 = tpu.memref_squeeze %dma_start3A_210 : memref<1x128x128xf32, #tpu.memory_space<vmem>> -> memref<128x128xf32, #tpu.memory_space<vmem>>
    %dma_start3A_212 = arith.constant 0 : i32
    %dma_start3A_213 = tpu.memref_slice %arg5[%dma_start3A_206, %dma_start3A_212] : memref<4x128xi32, #tpu.memory_space<vmem>> -> memref<1x128xi32, #tpu.memory_space<vmem>>
    %dma_start3A_214 = tpu.memref_squeeze %dma_start3A_213 : memref<1x128xi32, #tpu.memory_space<vmem>> -> memref<128xi32, #tpu.memory_space<vmem>>
    %dma_start3A_215 = arith.constant 0 : i32
    %dma_start3A_216 = arith.constant 0 : i32
    %dma_start3A_217 = tpu.memref_slice %arg3[%dma_start3A_215, %dma_start3A_216] : memref<100000x128xf32, #tpu.memory_space<hbm>> -> memref<100000x128xf32, #tpu.memory_space<hbm>>
    tpu.enqueue_indirect_dma source(%dma_start3A_217 : memref<100000x128xf32, #tpu.memory_space<hbm>>) target(%dma_start3A_211 : memref<128x128xf32, #tpu.memory_space<vmem>>) offsets(%dma_start3A_214 : memref<128xi32, #tpu.memory_space<vmem>>) semaphore(%arg8 : memref<!tpu.dma_semaphore, #tpu.memory_space<semaphore_mem>>)
    %dma_wait3A_218 = arith.constant 2 : i32
    %dma_wait3A_219 = arith.constant 0 : i32
    %dma_wait3A_220 = arith.constant 0 : i32
    %dma_wait3A_221 = arith.constant 0 : i32
    %dma_wait3A_222 = tpu.memref_slice %arg7[%dma_wait3A_219, %dma_wait3A_220, %dma_wait3A_221] : memref<2x128x128xf32, #tpu.memory_space<vmem>> -> memref<1x128x128xf32, #tpu.memory_space<vmem>>
    %dma_wait3A_223 = tpu.memref_squeeze %dma_wait3A_222 : memref<1x128x128xf32, #tpu.memory_space<vmem>> -> memref<128x128xf32, #tpu.memory_space<vmem>>
    %dma_wait3A_224 = arith.constant 0 : i32
    %dma_wait3A_225 = tpu.memref_slice %arg5[%dma_wait3A_218, %dma_wait3A_224] : memref<4x128xi32, #tpu.memory_space<vmem>> -> memref<1x128xi32, #tpu.memory_space<vmem>>
    %dma_wait3A_226 = tpu.memref_squeeze %dma_wait3A_225 : memref<1x128xi32, #tpu.memory_space<vmem>> -> memref<128xi32, #tpu.memory_space<vmem>>
    %dma_wait3A_227 = arith.constant 0 : i32
    %dma_wait3A_228 = arith.constant 0 : i32
    %dma_wait3A_229 = tpu.memref_slice %arg3[%dma_wait3A_227, %dma_wait3A_228] : memref<100000x128xf32, #tpu.memory_space<hbm>> -> memref<100000x128xf32, #tpu.memory_space<hbm>>
    tpu.wait_indirect_dma semaphore(%arg8 : memref<!tpu.dma_semaphore, #tpu.memory_space<semaphore_mem>>) src(%dma_wait3A_229 : memref<100000x128xf32, #tpu.memory_space<hbm>>) dst(%dma_wait3A_223 : memref<128x128xf32, #tpu.memory_space<vmem>>)
    %scan3A_230 = arith.constant 0 : i32
    %scan3A_231 = arith.constant 0 : i32
    %scan3A_232 = arith.constant 128 : i32
    %scan3A_233 = arith.addi %scan3A_231, %scan3A_232 : i32
    %scan3A_234 = arith.constant 1 : i32
    scf.for %scan3A_318 = %scan3A_231 to %scan3A_233 step %scan3A_234  : i32 {
      %get3A = arith.index_cast %scan3A_318 : i32 to index
      %get3A_319 = arith.constant 0 : index
      %get3A_320 = tpu.vector_load %arg6[%get3A, %get3A_319] {strides = array<i32>} : memref<128x128xf32, #tpu.memory_space<vmem>>, vector<1x16xf32>,
      %get3A_321 = vector.shape_cast %get3A_320 : vector<1x16xf32> to vector<16xf32>
      %swap3A = arith.constant 0 : i32
      %swap3A_322 = arith.index_cast %swap3A : i32 to index
      %swap3A_323 = arith.index_cast %scan3A_318 : i32 to index
      %swap3A_324 = arith.constant 0 : index
      %swap3A_325 = tpu.vector_load %arg7[%swap3A_322, %swap3A_323, %swap3A_324] {strides = array<i32>} : memref<2x128x128xf32, #tpu.memory_space<vmem>>, vector<1x1x16xf32>,
      %swap3A_326 = vector.shape_cast %swap3A_325 : vector<1x1x16xf32> to vector<16xf32>
      %swap3A_327 = vector.shape_cast %get3A_321 : vector<16xf32> to vector<1x1x16xf32>
      tpu.vector_store %arg7[%swap3A_322, %swap3A_323, %swap3A_324], %swap3A_327 {add = true, strides = array<i32>} : memref<2x128x128xf32, #tpu.memory_space<vmem>>, vector<1x1x16xf32>,
      %get3A_328 = arith.index_cast %scan3A_318 : i32 to index
      %get3A_329 = arith.constant 16 : index
      %get3A_330 = tpu.vector_load %arg6[%get3A_328, %get3A_329] {strides = array<i32>} : memref<128x128xf32, #tpu.memory_space<vmem>>, vector<1x16xf32>,
      %get3A_331 = vector.shape_cast %get3A_330 : vector<1x16xf32> to vector<16xf32>
      %swap3A_332 = arith.constant 0 : i32
      %swap3A_333 = arith.index_cast %swap3A_332 : i32 to index
      %swap3A_334 = arith.index_cast %scan3A_318 : i32 to index
      %swap3A_335 = arith.constant 16 : index
      %swap3A_336 = tpu.vector_load %arg7[%swap3A_333, %swap3A_334, %swap3A_335] {strides = array<i32>} : memref<2x128x128xf32, #tpu.memory_space<vmem>>, vector<1x1x16xf32>,
      %swap3A_337 = vector.shape_cast %swap3A_336 : vector<1x1x16xf32> to vector<16xf32>
      %swap3A_338 = vector.shape_cast %get3A_331 : vector<16xf32> to vector<1x1x16xf32>
      tpu.vector_store %arg7[%swap3A_333, %swap3A_334, %swap3A_335], %swap3A_338 {add = true, strides = array<i32>} : memref<2x128x128xf32, #tpu.memory_space<vmem>>, vector<1x1x16xf32>,
      %get3A_339 = arith.index_cast %scan3A_318 : i32 to index
      %get3A_340 = arith.constant 32 : index
      %get3A_341 = tpu.vector_load %arg6[%get3A_339, %get3A_340] {strides = array<i32>} : memref<128x128xf32, #tpu.memory_space<vmem>>, vector<1x16xf32>,
      %get3A_342 = vector.shape_cast %get3A_341 : vector<1x16xf32> to vector<16xf32>
      %swap3A_343 = arith.constant 0 : i32
      %swap3A_344 = arith.index_cast %swap3A_343 : i32 to index
      %swap3A_345 = arith.index_cast %scan3A_318 : i32 to index
      %swap3A_346 = arith.constant 32 : index
      %swap3A_347 = tpu.vector_load %arg7[%swap3A_344, %swap3A_345, %swap3A_346] {strides = array<i32>} : memref<2x128x128xf32, #tpu.memory_space<vmem>>, vector<1x1x16xf32>,
      %swap3A_348 = vector.shape_cast %swap3A_347 : vector<1x1x16xf32> to vector<16xf32>
      %swap3A_349 = vector.shape_cast %get3A_342 : vector<16xf32> to vector<1x1x16xf32>
      tpu.vector_store %arg7[%swap3A_344, %swap3A_345, %swap3A_346], %swap3A_349 {add = true, strides = array<i32>} : memref<2x128x128xf32, #tpu.memory_space<vmem>>, vector<1x1x16xf32>,
      %get3A_350 = arith.index_cast %scan3A_318 : i32 to index
      %get3A_351 = arith.constant 48 : index
      %get3A_352 = tpu.vector_load %arg6[%get3A_350, %get3A_351] {strides = array<i32>} : memref<128x128xf32, #tpu.memory_space<vmem>>, vector<1x16xf32>,
      %get3A_353 = vector.shape_cast %get3A_352 : vector<1x16xf32> to vector<16xf32>
      %swap3A_354 = arith.constant 0 : i32
      %swap3A_355 = arith.index_cast %swap3A_354 : i32 to index
      %swap3A_356 = arith.index_cast %scan3A_318 : i32 to index
      %swap3A_357 = arith.constant 48 : index
      %swap3A_358 = tpu.vector_load %arg7[%swap3A_355, %swap3A_356, %swap3A_357] {strides = array<i32>} : memref<2x128x128xf32, #tpu.memory_space<vmem>>, vector<1x1x16xf32>,
      %swap3A_359 = vector.shape_cast %swap3A_358 : vector<1x1x16xf32> to vector<16xf32>
      %swap3A_360 = vector.shape_cast %get3A_353 : vector<16xf32> to vector<1x1x16xf32>
      tpu.vector_store %arg7[%swap3A_355, %swap3A_356, %swap3A_357], %swap3A_360 {add = true, strides = array<i32>} : memref<2x128x128xf32, #tpu.memory_space<vmem>>, vector<1x1x16xf32>,
      %get3A_361 = arith.index_cast %scan3A_318 : i32 to index
      %get3A_362 = arith.constant 64 : index
      %get3A_363 = tpu.vector_load %arg6[%get3A_361, %get3A_362] {strides = array<i32>} : memref<128x128xf32, #tpu.memory_space<vmem>>, vector<1x16xf32>,
      %get3A_364 = vector.shape_cast %get3A_363 : vector<1x16xf32> to vector<16xf32>
      %swap3A_365 = arith.constant 0 : i32
      %swap3A_366 = arith.index_cast %swap3A_365 : i32 to index
      %swap3A_367 = arith.index_cast %scan3A_318 : i32 to index
      %swap3A_368 = arith.constant 64 : index
      %swap3A_369 = tpu.vector_load %arg7[%swap3A_366, %swap3A_367, %swap3A_368] {strides = array<i32>} : memref<2x128x128xf32, #tpu.memory_space<vmem>>, vector<1x1x16xf32>,
      %swap3A_370 = vector.shape_cast %swap3A_369 : vector<1x1x16xf32> to vector<16xf32>
      %swap3A_371 = vector.shape_cast %get3A_364 : vector<16xf32> to vector<1x1x16xf32>
      tpu.vector_store %arg7[%swap3A_366, %swap3A_367, %swap3A_368], %swap3A_371 {add = true, strides = array<i32>} : memref<2x128x128xf32, #tpu.memory_space<vmem>>, vector<1x1x16xf32>,
      %get3A_372 = arith.index_cast %scan3A_318 : i32 to index
      %get3A_373 = arith.constant 80 : index
      %get3A_374 = tpu.vector_load %arg6[%get3A_372, %get3A_373] {strides = array<i32>} : memref<128x128xf32, #tpu.memory_space<vmem>>, vector<1x16xf32>,
      %get3A_375 = vector.shape_cast %get3A_374 : vector<1x16xf32> to vector<16xf32>
      %swap3A_376 = arith.constant 0 : i32
      %swap3A_377 = arith.index_cast %swap3A_376 : i32 to index
      %swap3A_378 = arith.index_cast %scan3A_318 : i32 to index
      %swap3A_379 = arith.constant 80 : index
      %swap3A_380 = tpu.vector_load %arg7[%swap3A_377, %swap3A_378, %swap3A_379] {strides = array<i32>} : memref<2x128x128xf32, #tpu.memory_space<vmem>>, vector<1x1x16xf32>,
      %swap3A_381 = vector.shape_cast %swap3A_380 : vector<1x1x16xf32> to vector<16xf32>
      %swap3A_382 = vector.shape_cast %get3A_375 : vector<16xf32> to vector<1x1x16xf32>
      tpu.vector_store %arg7[%swap3A_377, %swap3A_378, %swap3A_379], %swap3A_382 {add = true, strides = array<i32>} : memref<2x128x128xf32, #tpu.memory_space<vmem>>, vector<1x1x16xf32>,
      %get3A_383 = arith.index_cast %scan3A_318 : i32 to index
      %get3A_384 = arith.constant 96 : index
      %get3A_385 = tpu.vector_load %arg6[%get3A_383, %get3A_384] {strides = array<i32>} : memref<128x128xf32, #tpu.memory_space<vmem>>, vector<1x16xf32>,
      %get3A_386 = vector.shape_cast %get3A_385 : vector<1x16xf32> to vector<16xf32>
      %swap3A_387 = arith.constant 0 : i32
      %swap3A_388 = arith.index_cast %swap3A_387 : i32 to index
      %swap3A_389 = arith.index_cast %scan3A_318 : i32 to index
      %swap3A_390 = arith.constant 96 : index
      %swap3A_391 = tpu.vector_load %arg7[%swap3A_388, %swap3A_389, %swap3A_390] {strides = array<i32>} : memref<2x128x128xf32, #tpu.memory_space<vmem>>, vector<1x1x16xf32>,
      %swap3A_392 = vector.shape_cast %swap3A_391 : vector<1x1x16xf32> to vector<16xf32>
      %swap3A_393 = vector.shape_cast %get3A_386 : vector<16xf32> to vector<1x1x16xf32>
      tpu.vector_store %arg7[%swap3A_388, %swap3A_389, %swap3A_390], %swap3A_393 {add = true, strides = array<i32>} : memref<2x128x128xf32, #tpu.memory_space<vmem>>, vector<1x1x16xf32>,
      %get3A_394 = arith.index_cast %scan3A_318 : i32 to index
      %get3A_395 = arith.constant 112 : index
      %get3A_396 = tpu.vector_load %arg6[%get3A_394, %get3A_395] {strides = array<i32>} : memref<128x128xf32, #tpu.memory_space<vmem>>, vector<1x16xf32>,
      %get3A_397 = vector.shape_cast %get3A_396 : vector<1x16xf32> to vector<16xf32>
      %swap3A_398 = arith.constant 0 : i32
      %swap3A_399 = arith.index_cast %swap3A_398 : i32 to index
      %swap3A_400 = arith.index_cast %scan3A_318 : i32 to index
      %swap3A_401 = arith.constant 112 : index
      %swap3A_402 = tpu.vector_load %arg7[%swap3A_399, %swap3A_400, %swap3A_401] {strides = array<i32>} : memref<2x128x128xf32, #tpu.memory_space<vmem>>, vector<1x1x16xf32>,
      %swap3A_403 = vector.shape_cast %swap3A_402 : vector<1x1x16xf32> to vector<16xf32>
      %swap3A_404 = vector.shape_cast %get3A_397 : vector<16xf32> to vector<1x1x16xf32>
      tpu.vector_store %arg7[%swap3A_399, %swap3A_400, %swap3A_401], %swap3A_404 {add = true, strides = array<i32>} : memref<2x128x128xf32, #tpu.memory_space<vmem>>, vector<1x1x16xf32>,
    }
    %scan3A_235 = arith.constant 128 : i32
    %dma_start3A_236 = arith.constant 0 : i32
    %dma_start3A_237 = arith.constant 2 : i32
    %dma_start3A_238 = arith.constant 0 : i32
    %dma_start3A_239 = arith.constant 0 : i32
    %dma_start3A_240 = tpu.memref_slice %arg7[%dma_start3A_236, %dma_start3A_238, %dma_start3A_239] : memref<2x128x128xf32, #tpu.memory_space<vmem>> -> memref<1x128x128xf32, #tpu.memory_space<vmem>>
    %dma_start3A_241 = tpu.memref_squeeze %dma_start3A_240 : memref<1x128x128xf32, #tpu.memory_space<vmem>> -> memref<128x128xf32, #tpu.memory_space<vmem>>
    %dma_start3A_242 = arith.constant 0 : i32
    %dma_start3A_243 = tpu.memref_slice %arg4[%dma_start3A_237, %mul3A_2, %dma_start3A_242] : memref<4x4096x128xf32, #tpu.memory_space<hbm>> -> memref<1x128x128xf32, #tpu.memory_space<hbm>>
    %dma_start3A_244 = tpu.memref_squeeze %dma_start3A_243 : memref<1x128x128xf32, #tpu.memory_space<hbm>> -> memref<128x128xf32, #tpu.memory_space<hbm>>
    %dma_start3A_245 = arith.constant 0 : i32
    %dma_start3A_246 = tpu.memref_slice %arg4[%dma_start3A_237, %mul3A_2, %dma_start3A_245] : memref<4x4096x128xf32, #tpu.memory_space<hbm>> -> memref<1x128x128xf32, #tpu.memory_space<hbm>>
    %dma_start3A_247 = tpu.memref_squeeze %dma_start3A_246 : memref<1x128x128xf32, #tpu.memory_space<hbm>> -> memref<128x128xf32, #tpu.memory_space<hbm>>
    %dma_start3A_248 = arith.constant 0 : i32
    %dma_start3A_249 = arith.constant 0 : i32
    %dma_start3A_250 = tpu.memref_slice %arg7[%dma_start3A_236, %dma_start3A_248, %dma_start3A_249] : memref<2x128x128xf32, #tpu.memory_space<vmem>> -> memref<1x128x128xf32, #tpu.memory_space<vmem>>
    %dma_start3A_251 = tpu.memref_squeeze %dma_start3A_250 : memref<1x128x128xf32, #tpu.memory_space<vmem>> -> memref<128x128xf32, #tpu.memory_space<vmem>>
    tpu.enqueue_dma source(%dma_start3A_251 : memref<128x128xf32, #tpu.memory_space<vmem>>) target(%dma_start3A_247 : memref<128x128xf32, #tpu.memory_space<hbm>>) target_semaphore(%arg9 : memref<!tpu.dma_semaphore, #tpu.memory_space<semaphore_mem>>)
    %dma_wait3A_252 = arith.constant 3 : i32
    %dma_wait3A_253 = arith.constant 1 : i32
    %dma_wait3A_254 = arith.constant 0 : i32
    %dma_wait3A_255 = arith.constant 0 : i32
    %dma_wait3A_256 = tpu.memref_slice %arg7[%dma_wait3A_253, %dma_wait3A_254, %dma_wait3A_255] : memref<2x128x128xf32, #tpu.memory_space<vmem>> -> memref<1x128x128xf32, #tpu.memory_space<vmem>>
    %dma_wait3A_257 = tpu.memref_squeeze %dma_wait3A_256 : memref<1x128x128xf32, #tpu.memory_space<vmem>> -> memref<128x128xf32, #tpu.memory_space<vmem>>
    %dma_wait3A_258 = arith.constant 0 : i32
    %dma_wait3A_259 = tpu.memref_slice %arg5[%dma_wait3A_252, %dma_wait3A_258] : memref<4x128xi32, #tpu.memory_space<vmem>> -> memref<1x128xi32, #tpu.memory_space<vmem>>
    %dma_wait3A_260 = tpu.memref_squeeze %dma_wait3A_259 : memref<1x128xi32, #tpu.memory_space<vmem>> -> memref<128xi32, #tpu.memory_space<vmem>>
    %dma_wait3A_261 = arith.constant 0 : i32
    %dma_wait3A_262 = arith.constant 0 : i32
    %dma_wait3A_263 = tpu.memref_slice %arg3[%dma_wait3A_261, %dma_wait3A_262] : memref<100000x128xf32, #tpu.memory_space<hbm>> -> memref<100000x128xf32, #tpu.memory_space<hbm>>
    tpu.wait_indirect_dma semaphore(%arg8 : memref<!tpu.dma_semaphore, #tpu.memory_space<semaphore_mem>>) src(%dma_wait3A_263 : memref<100000x128xf32, #tpu.memory_space<hbm>>) dst(%dma_wait3A_257 : memref<128x128xf32, #tpu.memory_space<vmem>>)
    %scan3A_264 = arith.constant 0 : i32
    %scan3A_265 = arith.constant 0 : i32
    %scan3A_266 = arith.constant 128 : i32
    %scan3A_267 = arith.addi %scan3A_265, %scan3A_266 : i32
    %scan3A_268 = arith.constant 1 : i32
    scf.for %scan3A_318 = %scan3A_265 to %scan3A_267 step %scan3A_268  : i32 {
      %get3A = arith.index_cast %scan3A_318 : i32 to index
      %get3A_319 = arith.constant 0 : index
      %get3A_320 = tpu.vector_load %arg6[%get3A, %get3A_319] {strides = array<i32>} : memref<128x128xf32, #tpu.memory_space<vmem>>, vector<1x16xf32>,
      %get3A_321 = vector.shape_cast %get3A_320 : vector<1x16xf32> to vector<16xf32>
      %swap3A = arith.constant 1 : i32
      %swap3A_322 = arith.index_cast %swap3A : i32 to index
      %swap3A_323 = arith.index_cast %scan3A_318 : i32 to index
      %swap3A_324 = arith.constant 0 : index
      %swap3A_325 = tpu.vector_load %arg7[%swap3A_322, %swap3A_323, %swap3A_324] {strides = array<i32>} : memref<2x128x128xf32, #tpu.memory_space<vmem>>, vector<1x1x16xf32>,
      %swap3A_326 = vector.shape_cast %swap3A_325 : vector<1x1x16xf32> to vector<16xf32>
      %swap3A_327 = vector.shape_cast %get3A_321 : vector<16xf32> to vector<1x1x16xf32>
      tpu.vector_store %arg7[%swap3A_322, %swap3A_323, %swap3A_324], %swap3A_327 {add = true, strides = array<i32>} : memref<2x128x128xf32, #tpu.memory_space<vmem>>, vector<1x1x16xf32>,
      %get3A_328 = arith.index_cast %scan3A_318 : i32 to index
      %get3A_329 = arith.constant 16 : index
      %get3A_330 = tpu.vector_load %arg6[%get3A_328, %get3A_329] {strides = array<i32>} : memref<128x128xf32, #tpu.memory_space<vmem>>, vector<1x16xf32>,
      %get3A_331 = vector.shape_cast %get3A_330 : vector<1x16xf32> to vector<16xf32>
      %swap3A_332 = arith.constant 1 : i32
      %swap3A_333 = arith.index_cast %swap3A_332 : i32 to index
      %swap3A_334 = arith.index_cast %scan3A_318 : i32 to index
      %swap3A_335 = arith.constant 16 : index
      %swap3A_336 = tpu.vector_load %arg7[%swap3A_333, %swap3A_334, %swap3A_335] {strides = array<i32>} : memref<2x128x128xf32, #tpu.memory_space<vmem>>, vector<1x1x16xf32>,
      %swap3A_337 = vector.shape_cast %swap3A_336 : vector<1x1x16xf32> to vector<16xf32>
      %swap3A_338 = vector.shape_cast %get3A_331 : vector<16xf32> to vector<1x1x16xf32>
      tpu.vector_store %arg7[%swap3A_333, %swap3A_334, %swap3A_335], %swap3A_338 {add = true, strides = array<i32>} : memref<2x128x128xf32, #tpu.memory_space<vmem>>, vector<1x1x16xf32>,
      %get3A_339 = arith.index_cast %scan3A_318 : i32 to index
      %get3A_340 = arith.constant 32 : index
      %get3A_341 = tpu.vector_load %arg6[%get3A_339, %get3A_340] {strides = array<i32>} : memref<128x128xf32, #tpu.memory_space<vmem>>, vector<1x16xf32>,
      %get3A_342 = vector.shape_cast %get3A_341 : vector<1x16xf32> to vector<16xf32>
      %swap3A_343 = arith.constant 1 : i32
      %swap3A_344 = arith.index_cast %swap3A_343 : i32 to index
      %swap3A_345 = arith.index_cast %scan3A_318 : i32 to index
      %swap3A_346 = arith.constant 32 : index
      %swap3A_347 = tpu.vector_load %arg7[%swap3A_344, %swap3A_345, %swap3A_346] {strides = array<i32>} : memref<2x128x128xf32, #tpu.memory_space<vmem>>, vector<1x1x16xf32>,
      %swap3A_348 = vector.shape_cast %swap3A_347 : vector<1x1x16xf32> to vector<16xf32>
      %swap3A_349 = vector.shape_cast %get3A_342 : vector<16xf32> to vector<1x1x16xf32>
      tpu.vector_store %arg7[%swap3A_344, %swap3A_345, %swap3A_346], %swap3A_349 {add = true, strides = array<i32>} : memref<2x128x128xf32, #tpu.memory_space<vmem>>, vector<1x1x16xf32>,
      %get3A_350 = arith.index_cast %scan3A_318 : i32 to index
      %get3A_351 = arith.constant 48 : index
      %get3A_352 = tpu.vector_load %arg6[%get3A_350, %get3A_351] {strides = array<i32>} : memref<128x128xf32, #tpu.memory_space<vmem>>, vector<1x16xf32>,
      %get3A_353 = vector.shape_cast %get3A_352 : vector<1x16xf32> to vector<16xf32>
      %swap3A_354 = arith.constant 1 : i32
      %swap3A_355 = arith.index_cast %swap3A_354 : i32 to index
      %swap3A_356 = arith.index_cast %scan3A_318 : i32 to index
      %swap3A_357 = arith.constant 48 : index
      %swap3A_358 = tpu.vector_load %arg7[%swap3A_355, %swap3A_356, %swap3A_357] {strides = array<i32>} : memref<2x128x128xf32, #tpu.memory_space<vmem>>, vector<1x1x16xf32>,
      %swap3A_359 = vector.shape_cast %swap3A_358 : vector<1x1x16xf32> to vector<16xf32>
      %swap3A_360 = vector.shape_cast %get3A_353 : vector<16xf32> to vector<1x1x16xf32>
      tpu.vector_store %arg7[%swap3A_355, %swap3A_356, %swap3A_357], %swap3A_360 {add = true, strides = array<i32>} : memref<2x128x128xf32, #tpu.memory_space<vmem>>, vector<1x1x16xf32>,
      %get3A_361 = arith.index_cast %scan3A_318 : i32 to index
      %get3A_362 = arith.constant 64 : index
      %get3A_363 = tpu.vector_load %arg6[%get3A_361, %get3A_362] {strides = array<i32>} : memref<128x128xf32, #tpu.memory_space<vmem>>, vector<1x16xf32>,
      %get3A_364 = vector.shape_cast %get3A_363 : vector<1x16xf32> to vector<16xf32>
      %swap3A_365 = arith.constant 1 : i32
      %swap3A_366 = arith.index_cast %swap3A_365 : i32 to index
      %swap3A_367 = arith.index_cast %scan3A_318 : i32 to index
      %swap3A_368 = arith.constant 64 : index
      %swap3A_369 = tpu.vector_load %arg7[%swap3A_366, %swap3A_367, %swap3A_368] {strides = array<i32>} : memref<2x128x128xf32, #tpu.memory_space<vmem>>, vector<1x1x16xf32>,
      %swap3A_370 = vector.shape_cast %swap3A_369 : vector<1x1x16xf32> to vector<16xf32>
      %swap3A_371 = vector.shape_cast %get3A_364 : vector<16xf32> to vector<1x1x16xf32>
      tpu.vector_store %arg7[%swap3A_366, %swap3A_367, %swap3A_368], %swap3A_371 {add = true, strides = array<i32>} : memref<2x128x128xf32, #tpu.memory_space<vmem>>, vector<1x1x16xf32>,
      %get3A_372 = arith.index_cast %scan3A_318 : i32 to index
      %get3A_373 = arith.constant 80 : index
      %get3A_374 = tpu.vector_load %arg6[%get3A_372, %get3A_373] {strides = array<i32>} : memref<128x128xf32, #tpu.memory_space<vmem>>, vector<1x16xf32>,
      %get3A_375 = vector.shape_cast %get3A_374 : vector<1x16xf32> to vector<16xf32>
      %swap3A_376 = arith.constant 1 : i32
      %swap3A_377 = arith.index_cast %swap3A_376 : i32 to index
      %swap3A_378 = arith.index_cast %scan3A_318 : i32 to index
      %swap3A_379 = arith.constant 80 : index
      %swap3A_380 = tpu.vector_load %arg7[%swap3A_377, %swap3A_378, %swap3A_379] {strides = array<i32>} : memref<2x128x128xf32, #tpu.memory_space<vmem>>, vector<1x1x16xf32>,
      %swap3A_381 = vector.shape_cast %swap3A_380 : vector<1x1x16xf32> to vector<16xf32>
      %swap3A_382 = vector.shape_cast %get3A_375 : vector<16xf32> to vector<1x1x16xf32>
      tpu.vector_store %arg7[%swap3A_377, %swap3A_378, %swap3A_379], %swap3A_382 {add = true, strides = array<i32>} : memref<2x128x128xf32, #tpu.memory_space<vmem>>, vector<1x1x16xf32>,
      %get3A_383 = arith.index_cast %scan3A_318 : i32 to index
      %get3A_384 = arith.constant 96 : index
      %get3A_385 = tpu.vector_load %arg6[%get3A_383, %get3A_384] {strides = array<i32>} : memref<128x128xf32, #tpu.memory_space<vmem>>, vector<1x16xf32>,
      %get3A_386 = vector.shape_cast %get3A_385 : vector<1x16xf32> to vector<16xf32>
      %swap3A_387 = arith.constant 1 : i32
      %swap3A_388 = arith.index_cast %swap3A_387 : i32 to index
      %swap3A_389 = arith.index_cast %scan3A_318 : i32 to index
      %swap3A_390 = arith.constant 96 : index
      %swap3A_391 = tpu.vector_load %arg7[%swap3A_388, %swap3A_389, %swap3A_390] {strides = array<i32>} : memref<2x128x128xf32, #tpu.memory_space<vmem>>, vector<1x1x16xf32>,
      %swap3A_392 = vector.shape_cast %swap3A_391 : vector<1x1x16xf32> to vector<16xf32>
      %swap3A_393 = vector.shape_cast %get3A_386 : vector<16xf32> to vector<1x1x16xf32>
      tpu.vector_store %arg7[%swap3A_388, %swap3A_389, %swap3A_390], %swap3A_393 {add = true, strides = array<i32>} : memref<2x128x128xf32, #tpu.memory_space<vmem>>, vector<1x1x16xf32>,
      %get3A_394 = arith.index_cast %scan3A_318 : i32 to index
      %get3A_395 = arith.constant 112 : index
      %get3A_396 = tpu.vector_load %arg6[%get3A_394, %get3A_395] {strides = array<i32>} : memref<128x128xf32, #tpu.memory_space<vmem>>, vector<1x16xf32>,
      %get3A_397 = vector.shape_cast %get3A_396 : vector<1x16xf32> to vector<16xf32>
      %swap3A_398 = arith.constant 1 : i32
      %swap3A_399 = arith.index_cast %swap3A_398 : i32 to index
      %swap3A_400 = arith.index_cast %scan3A_318 : i32 to index
      %swap3A_401 = arith.constant 112 : index
      %swap3A_402 = tpu.vector_load %arg7[%swap3A_399, %swap3A_400, %swap3A_401] {strides = array<i32>} : memref<2x128x128xf32, #tpu.memory_space<vmem>>, vector<1x1x16xf32>,
      %swap3A_403 = vector.shape_cast %swap3A_402 : vector<1x1x16xf32> to vector<16xf32>
      %swap3A_404 = vector.shape_cast %get3A_397 : vector<16xf32> to vector<1x1x16xf32>
      tpu.vector_store %arg7[%swap3A_399, %swap3A_400, %swap3A_401], %swap3A_404 {add = true, strides = array<i32>} : memref<2x128x128xf32, #tpu.memory_space<vmem>>, vector<1x1x16xf32>,
    }
    %scan3A_269 = arith.constant 128 : i32
    %dma_start3A_270 = arith.constant 1 : i32
    %dma_start3A_271 = arith.constant 3 : i32
    %dma_start3A_272 = arith.constant 0 : i32
    %dma_start3A_273 = arith.constant 0 : i32
    %dma_start3A_274 = tpu.memref_slice %arg7[%dma_start3A_270, %dma_start3A_272, %dma_start3A_273] : memref<2x128x128xf32, #tpu.memory_space<vmem>> -> memref<1x128x128xf32, #tpu.memory_space<vmem>>
    %dma_start3A_275 = tpu.memref_squeeze %dma_start3A_274 : memref<1x128x128xf32, #tpu.memory_space<vmem>> -> memref<128x128xf32, #tpu.memory_space<vmem>>
    %dma_start3A_276 = arith.constant 0 : i32
    %dma_start3A_277 = tpu.memref_slice %arg4[%dma_start3A_271, %mul3A_2, %dma_start3A_276] : memref<4x4096x128xf32, #tpu.memory_space<hbm>> -> memref<1x128x128xf32, #tpu.memory_space<hbm>>
    %dma_start3A_278 = tpu.memref_squeeze %dma_start3A_277 : memref<1x128x128xf32, #tpu.memory_space<hbm>> -> memref<128x128xf32, #tpu.memory_space<hbm>>
    %dma_start3A_279 = arith.constant 0 : i32
    %dma_start3A_280 = tpu.memref_slice %arg4[%dma_start3A_271, %mul3A_2, %dma_start3A_279] : memref<4x4096x128xf32, #tpu.memory_space<hbm>> -> memref<1x128x128xf32, #tpu.memory_space<hbm>>
    %dma_start3A_281 = tpu.memref_squeeze %dma_start3A_280 : memref<1x128x128xf32, #tpu.memory_space<hbm>> -> memref<128x128xf32, #tpu.memory_space<hbm>>
    %dma_start3A_282 = arith.constant 0 : i32
    %dma_start3A_283 = arith.constant 0 : i32
    %dma_start3A_284 = tpu.memref_slice %arg7[%dma_start3A_270, %dma_start3A_282, %dma_start3A_283] : memref<2x128x128xf32, #tpu.memory_space<vmem>> -> memref<1x128x128xf32, #tpu.memory_space<vmem>>
    %dma_start3A_285 = tpu.memref_squeeze %dma_start3A_284 : memref<1x128x128xf32, #tpu.memory_space<vmem>> -> memref<128x128xf32, #tpu.memory_space<vmem>>
    tpu.enqueue_dma source(%dma_start3A_285 : memref<128x128xf32, #tpu.memory_space<vmem>>) target(%dma_start3A_281 : memref<128x128xf32, #tpu.memory_space<hbm>>) target_semaphore(%arg9 : memref<!tpu.dma_semaphore, #tpu.memory_space<semaphore_mem>>)
    %dma_wait3A_286 = arith.constant 0 : i32
    %dma_wait3A_287 = arith.constant 2 : i32
    %dma_wait3A_288 = arith.constant 0 : i32
    %dma_wait3A_289 = arith.constant 0 : i32
    %dma_wait3A_290 = tpu.memref_slice %arg7[%dma_wait3A_286, %dma_wait3A_288, %dma_wait3A_289] : memref<2x128x128xf32, #tpu.memory_space<vmem>> -> memref<1x128x128xf32, #tpu.memory_space<vmem>>
    %dma_wait3A_291 = tpu.memref_squeeze %dma_wait3A_290 : memref<1x128x128xf32, #tpu.memory_space<vmem>> -> memref<128x128xf32, #tpu.memory_space<vmem>>
    %dma_wait3A_292 = arith.constant 0 : i32
    %dma_wait3A_293 = tpu.memref_slice %arg4[%dma_wait3A_287, %mul3A_2, %dma_wait3A_292] : memref<4x4096x128xf32, #tpu.memory_space<hbm>> -> memref<1x128x128xf32, #tpu.memory_space<hbm>>
    %dma_wait3A_294 = tpu.memref_squeeze %dma_wait3A_293 : memref<1x128x128xf32, #tpu.memory_space<hbm>> -> memref<128x128xf32, #tpu.memory_space<hbm>>
    %dma_wait3A_295 = arith.constant 0 : i32
    %dma_wait3A_296 = tpu.memref_slice %arg4[%dma_wait3A_287, %mul3A_2, %dma_wait3A_295] : memref<4x4096x128xf32, #tpu.memory_space<hbm>> -> memref<1x128x128xf32, #tpu.memory_space<hbm>>
    %dma_wait3A_297 = tpu.memref_squeeze %dma_wait3A_296 : memref<1x128x128xf32, #tpu.memory_space<hbm>> -> memref<128x128xf32, #tpu.memory_space<hbm>>
    %dma_wait3A_298 = arith.constant 0 : i32
    %dma_wait3A_299 = arith.constant 0 : i32
    %dma_wait3A_300 = tpu.memref_slice %arg7[%dma_wait3A_286, %dma_wait3A_298, %dma_wait3A_299] : memref<2x128x128xf32, #tpu.memory_space<vmem>> -> memref<1x128x128xf32, #tpu.memory_space<vmem>>
    %dma_wait3A_301 = tpu.memref_squeeze %dma_wait3A_300 : memref<1x128x128xf32, #tpu.memory_space<vmem>> -> memref<128x128xf32, #tpu.memory_space<vmem>>
    tpu.wait_dma2 semaphore(%arg9 : memref<!tpu.dma_semaphore, #tpu.memory_space<semaphore_mem>>) src(%dma_wait3A_301 : memref<128x128xf32, #tpu.memory_space<vmem>>) dst(%dma_wait3A_297 : memref<128x128xf32, #tpu.memory_space<hbm>>)
    %dma_wait3A_302 = arith.constant 1 : i32
    %dma_wait3A_303 = arith.constant 3 : i32
    %dma_wait3A_304 = arith.constant 0 : i32
    %dma_wait3A_305 = arith.constant 0 : i32
    %dma_wait3A_306 = tpu.memref_slice %arg7[%dma_wait3A_302, %dma_wait3A_304, %dma_wait3A_305] : memref<2x128x128xf32, #tpu.memory_space<vmem>> -> memref<1x128x128xf32, #tpu.memory_space<vmem>>
    %dma_wait3A_307 = tpu.memref_squeeze %dma_wait3A_306 : memref<1x128x128xf32, #tpu.memory_space<vmem>> -> memref<128x128xf32, #tpu.memory_space<vmem>>
    %dma_wait3A_308 = arith.constant 0 : i32
    %dma_wait3A_309 = tpu.memref_slice %arg4[%dma_wait3A_303, %mul3A_2, %dma_wait3A_308] : memref<4x4096x128xf32, #tpu.memory_space<hbm>> -> memref<1x128x128xf32, #tpu.memory_space<hbm>>
    %dma_wait3A_310 = tpu.memref_squeeze %dma_wait3A_309 : memref<1x128x128xf32, #tpu.memory_space<hbm>> -> memref<128x128xf32, #tpu.memory_space<hbm>>
    %dma_wait3A_311 = arith.constant 0 : i32
    %dma_wait3A_312 = tpu.memref_slice %arg4[%dma_wait3A_303, %mul3A_2, %dma_wait3A_311] : memref<4x4096x128xf32, #tpu.memory_space<hbm>> -> memref<1x128x128xf32, #tpu.memory_space<hbm>>
    %dma_wait3A_313 = tpu.memref_squeeze %dma_wait3A_312 : memref<1x128x128xf32, #tpu.memory_space<hbm>> -> memref<128x128xf32, #tpu.memory_space<hbm>>
    %dma_wait3A_314 = arith.constant 0 : i32
    %dma_wait3A_315 = arith.constant 0 : i32
    %dma_wait3A_316 = tpu.memref_slice %arg7[%dma_wait3A_302, %dma_wait3A_314, %dma_wait3A_315] : memref<2x128x128xf32, #tpu.memory_space<vmem>> -> memref<1x128x128xf32, #tpu.memory_space<vmem>>
    %dma_wait3A_317 = tpu.memref_squeeze %dma_wait3A_316 : memref<1x128x128xf32, #tpu.memory_space<vmem>> -> memref<128x128xf32, #tpu.memory_space<vmem>>
    tpu.wait_dma2 semaphore(%arg9 : memref<!tpu.dma_semaphore, #tpu.memory_space<semaphore_mem>>) src(%dma_wait3A_317 : memref<128x128xf32, #tpu.memory_space<vmem>>) dst(%dma_wait3A_313 : memref<128x128xf32, #tpu.memory_space<hbm>>)
    return
  }
}

</mosaic_0001>

<sc_bundles>
// kernel: kernel.3.cloned.1.call-start
scs
__scs_entry_jumppad:
0x0: {  	(pc) =	sbr.rel $0x88, $3  }
0x1: {  	(tag) =	ssettag $0x0;
	lr =	simm.s32 $0x1  }
0x2: {  	[smem:$0x3F9F] =	sst lr;
	_ =	strace $0xD0000000  }
0x3: {  	_ = 	snop  }
0x4: {  	_ = 	snop  }
0x5: {  	_ = 	snop  }
0x6: {  	_ = 	snop  }
0x7: {  	_ = 	snop  }
__scs_overlays_trampoline_lowered:
0x8: {  	[smem:$0x3FAE] =	sst s0  }
0x9: {  	[smem:$0x3FAF] =	sst s1  }
0xa: {  	[smem:$0x3FB0] =	sst s2  }
0xb: {  	[smem:$0x3FB1] =	sst s3  }
0xc: {  	[smem:$0x3FB2] =	sst s4  }
0xd: {  	[smem:$0x3FB3] =	sst s5  }
0xe: {  	[smem:$0x3FB4] =	sst s6  }
0xf: {  	[smem:$0x3FB5] =	sst s7  }
0x10: {  	[smem:$0x3FB6] =	sst s8  }
0x11: {  	[smem:$0x3FB7] =	sst s9;
	s0 =	simm.s32 @!p0 $0x0  }
0x12: {  	s1 =	sld [smem:$0x3F9D];
	s0 =	simm.s32 @p0 $0x1  }
0x13: {  	[smem:$0x3FB8] =	sst s0;
	s0 =	simm.s32 @!p1 $0x0  }
0x14: {  	s2 =	sld [smem:$0x3F9C];
	s0 =	simm.s32 @p1 $0x1  }
0x15: {  	[smem:$0x3FB9] =	sst s0;
	s0 =	simm.s32 @!p2 $0x0  }
0x16: {  	s3 =	sld [smem:$0x3FDB];
	s0 =	simm.s32 @p2 $0x1  }
0x17: {  	s4 =	simm.s32 $0x1BF5;
	[smem:$0x3FBB] =	sst s0  }
0x18: {  	s0 =	sld [smem:$0x3F9E];
	_ =	swait.ge [sflag:s4], $0x0  }
0x19: {  	s7 =	sld [smem:$0x3F9F]  }
0x1a: {  	s8 =	sadd.s32 $0xFFFFE003, lr  }
0x1b: {  	s9 =	sadd.s32 $0xFFFFFEF7, lr;
	s5 =	simm.s32 $0xFFFFFFFF;
	p2 =	slt.u32 s8, $0xFFFFF086  }
0x1c: {  	p1 =	slt.u32 s9, $0xF7A;
	s5 =	simm.s32 @!p2 $0x0  }
0x1d: {  	s5 =	simm.s32 @p1 $0x1;
	p0 =	seq.s32 s7, s2  }
0x1e: {  	s7 =	smul.u32 @!p0 $0xF7A, s2;
	p2 =	seq.s32 @!p0 s5, $0x0  }
0x1f: {  	s9 =	smul.u32 $0xF7A, s1;
	s8 =	simm.s32 @!p0 $0x1BF5;
	p2 =	por !p2, p0  }
0x20: {  	[sflag:s8] =	ssyncset.s32 @!p0 $0xFFFFF086;
	s6 =	sadd.s32 @!p0 s3, s7;
	s7 =	simm.s32 @!p0 $0x108  }
0x21: {  	s3 =	sadd.s32 s3, s9;
	s6 =	sadd.s32 @!p0 $0x88, s6;
	s7 =	simm.s32 @p2 $0x1082  }
0x22: {  	[simem:s7], [sflag:s8] =	dma.local @!p0 [hbm:s6], $0xF7A  }
0x23: {  	s9 =	sor.u32 $0xD0000000, s2;
	s6 =	simm.s32 $0x108;
	_ =	swait.ge @!p0 [sflag:s8], $0x0  }
0x24: {  	s3 =	sadd.s32 $0x88, s3;
	s6 =	simm.s32 @!p1 $0x1082;
	[sflag:s4] =	ssyncset.s32 $0xFFFFF086  }
0x25: {  	[simem:s6], [sflag:s4] =	dma.local [hbm:s3], $0xF7A  }
0x26: {  	[smem:$0x3F9F] =	sst s1;
	(tag) =	ssettag s2;
	_ =	strace s9  }
0x27: {  	s1 =	sld [smem:$0x3FAF]  }
0x28: {  	s2 =	sld [smem:$0x3FB0]  }
0x29: {  	s4 =	sld [smem:$0x3FB2]  }
0x2a: {  	p0 =	seq.s32 s5, $0x0;
	s5 =	sld [smem:$0x3FB3]  }
0x2b: {  	s6 =	sld [smem:$0x3FB4]  }
0x2c: {  	s7 =	sld [smem:$0x3FB5]  }
0x2d: {  	s3 =	simm.s32 $0x108;
	s8 =	sld [smem:$0x3FB6]  }
0x2e: {  	s3 =	simm.s32 @!p0 $0x1082;
	s9 =	sld [smem:$0x3FB7]  }
0x2f: {  	lr =	sadd.s32 s0, s3;
	s0 =	sld [smem:$0x3FAE]  }
0x30: {  	s3 =	sld [smem:$0x3FB1]  }
0x31: {  	[smem:$0x3FBA] =	sst s10  }
0x32: {  	s10 =	sld [smem:$0x3FB8];
	_ =	sdelay $0x3  }
0x33: {  	p0 =	seq.s32 s10, $0x1;
	s10 =	sld [smem:$0x3FBA];
	_ =	sdelay $0x3  }
0x34: {  	[smem:$0x3FBA] =	sst s10  }
0x35: {  	s10 =	sld [smem:$0x3FB9];
	_ =	sdelay $0x3  }
0x36: {  	p1 =	seq.s32 s10, $0x1;
	s10 =	sld [smem:$0x3FBA];
	_ =	sdelay $0x3  }
0x37: {  	[smem:$0x3FBA] =	sst s10  }
0x38: {  	s10 =	sld [smem:$0x3FBB]  }
0x39: {  	_ = 	snop;
	(pc) =	sbr.ind lr, $3  }
0x3a: {  	_ = 	snop  }
0x3b: {  	_ = 	snop  }
0x3c: {  	p2 =	seq.s32 s10, $0x1;
	s10 =	sld [smem:$0x3FBA]  }
0x3d: {  	_ =	shalt  }
0x3e: {  	_ =	shalt  }
0x3f: {  	_ =	shalt  }
0x40: {  	_ =	shalt  }
0x41: {  	_ =	shalt  }
0x42: {  	_ =	shalt  }
0x43: {  	_ =	shalt  }
0x44: {  	_ =	shalt  }
0x45: {  	_ =	shalt  }
0x46: {  	_ =	shalt  }
0x47: {  	_ =	shalt  }
0x48: {  	_ =	shalt  }
0x49: {  	_ =	shalt  }
0x4a: {  	_ =	shalt  }
0x4b: {  	_ =	shalt  }
0x4c: {  	_ =	shalt  }
0x4d: {  	_ =	shalt  }
0x4e: {  	_ =	shalt  }
0x4f: {  	_ =	shalt  }
0x50: {  	_ =	shalt  }
0x51: {  	_ =	shalt  }
0x52: {  	_ =	shalt  }
0x53: {  	_ =	shalt  }
0x54: {  	_ =	shalt  }
0x55: {  	_ =	shalt  }
0x56: {  	_ =	shalt  }
0x57: {  	_ =	shalt  }
0x58: {  	_ =	shalt  }
0x59: {  	_ =	shalt  }
0x5a: {  	_ =	shalt  }
0x5b: {  	_ =	shalt  }
0x5c: {  	_ =	shalt  }
0x5d: {  	_ =	shalt  }
0x5e: {  	_ =	shalt  }
0x5f: {  	_ =	shalt  }
0x60: {  	_ =	shalt  }
0x61: {  	_ =	shalt  }
0x62: {  	_ =	shalt  }
0x63: {  	_ =	shalt  }
0x64: {  	_ =	shalt  }
0x65: {  	_ =	shalt  }
0x66: {  	_ =	shalt  }
0x67: {  	_ =	shalt  }
0x68: {  	_ =	shalt  }
0x69: {  	_ =	shalt  }
0x6a: {  	_ =	shalt  }
0x6b: {  	_ =	shalt  }
0x6c: {  	_ =	shalt  }
0x6d: {  	_ =	shalt  }
0x6e: {  	_ =	shalt  }
0x6f: {  	_ =	shalt  }
0x70: {  	_ =	shalt  }
0x71: {  	_ =	shalt  }
0x72: {  	_ =	shalt  }
0x73: {  	_ =	shalt  }
0x74: {  	_ =	shalt  }
0x75: {  	_ =	shalt  }
0x76: {  	_ =	shalt  }
0x77: {  	_ =	shalt  }
0x78: {  	_ =	shalt  }
0x79: {  	_ =	shalt  }
0x7a: {  	_ =	shalt  }
0x7b: {  	_ =	shalt  }
0x7c: {  	_ =	shalt  }
0x7d: {  	_ =	shalt  }
0x7e: {  	_ =	shalt  }
0x7f: {  	_ =	shalt  }
0x80: {  	_ =	shalt  }
0x81: {  	_ =	shalt  }
0x82: {  	_ =	shalt  }
0x83: {  	_ =	shalt  }
0x84: {  	_ =	shalt  }
0x85: {  	_ =	shalt  }
0x86: {  	_ =	shalt  }
0x87: {  	_ =	shalt  }
.Lfunc_end0:
.L_simem_size_0:
called_computation_lowered:
.L_overlay_start_0:
0x88: {  	s2 =	sld [smem:$0x3FD9]  }
0x89: {  	s3 =	sld [smem:$0x3FFE];
	_ =	sdelay $0x1  }
0x8a: {  	s1 =	srdreg.scid  }
0x8b: {  	s0 =	sand.u32 $0x1, s1  }
0x8c: {  	s18 =	sshll.u32 s0, $0xA;
	s2 =	sadd.s32 s3, s2  }
0x8d: {  	s2 =	sadd.s32 s2, s18  }
0x8e: {  	[smem:$0x3FC6] =	sst s2  }
0x8f: {  	_ = 	snop  }
0x90: {  	s2 =	sld [smem:$0x3FC9]  }
0x91: {  	s19 =	sld [smem:$0x3FC8]  }
0x92: {  	s4 =	sld [smem:$0x3FD0];
	(tm) =	ssettm $0x1  }
0x93: {  	s5 =	sld [smem:$0x3FFB];
	_ =	sdelay $0x3  }
0x94: {  	_ =	strace s5  }
0x95: {  	s5 =	sld [smem:$0x3FFC];
	_ =	sdelay $0x3  }
0x96: {  	_ =	strace s5  }
0x97: {  	s5 =	sld [smem:$0x3FFD];
	_ =	sdelay $0x3  }
0x98: {  	_ =	strace s5  }
0x99: {  	_ =	strace $0x8FFFFFFF  }
0x9a: {  	s20 =	sld [smem:$0x3FDB];
	_ =	sdelay $0x1  }
0x9b: {  	s6 =	simm.s32 $_scs_section_size  }
0x9c: {  	s7 =	simm.s32 $_size__tile_overlayer_lowered;
	s8 =	simm.s32 $_tile_overlayer_lowered  }
0x9d: {  	s23 =	simm.s32 $0x1BFF;
	s22 =	sshll.u32 s8, $0x1;
	s5 =	sadd.s32 s6, s20  }
0x9e: {  	s9 =	simm.s32 $0x0;
	s21 =	sshll.u32 s7, $0x1;
	s7 =	sadd.s32 s22, s5  }
0x9f: {  	[timem:s9], [sflag:s23] =	dma.local [hbm:s7], s21  }
0xa0: {  	_ =	swait.ge [sflag:s23], s21  }
0xa1: {  	s6 =	ssub.s32 $0x0, s21;
	[sflag:s23] =	ssyncset.done $0x0  }
0xa2: {  	[sflag:s23] =	ssyncadd.s32 s6;
	_ =	sdelay $0x1  }
0xa3: {  	s24 =	simm.s32 $0x1B8B  }
0xa4: {  	_ =	swait.ge [sflag:s24], $0x1  }
0xa5: {  	[sflag:s24] =	ssyncset.done $0x0  }
0xa6: {  	s25 =	simm.s32 $0x1B8E;
	[sflag:s24] =	ssyncadd.s32 $0xFFFFFFFF  }
0xa7: {  	s26 =	simm.s32 $execute0_lowered;
	[smem:$0x3FD2] =	sst s25  }
0xa8: {  	s6 =	sshll.u32 s26, $0x1;
	_ =	strace $0x80000046;
	[dreg:$0x1] =	wrdreg $0xFFFFFFFF  }
0xa9: {  	s28 =	simm.s32 $_size_execute0_lowered;
	s5 =	sadd.s32 s5, s6;
	[dreg:$0x0] =	wrdreg $0x0  }
0xaa: {  	s6 =	sshll.u32 s28, $0x1;
	[dreg:$0x2] =	wrdreg s5  }
0xab: {  	[dreg:$0x3] =	wrdreg s6  }
0xac: {  	[dreg:$0x4] =	wrdreg $0xC0  }
0xad: {  	_ =	task [dreg:s9], $0x5FFFF  }
0xae: {  	[dreg:$0x1] =	wrdreg $0xFFFFFFFF  }
0xaf: {  	[dreg:$0x0] =	wrdreg $0x60  }
0xb0: {  	[dreg:$0x2] =	wrdreg s2  }
0xb1: {  	[dreg:$0x3] =	wrdreg s19  }
0xb2: {  	[dreg:$0x4] =	wrdreg s4  }
0xb3: {  	[dreg:$0x5] =	wrdreg $0x9  }
0xb4: {  	_ =	task.clear_ibuf [dreg:s9], $0x6FFFF;
	_ =	strace $0x90000046  }
0xb5: {  	s29 =	simm.s32 $0x9;
	_ =	strace $0x80000048  }
0xb6: {  	_ =	swait.ge [sflag:s29], $0x1  }
0xb7: {  	[sflag:s29] =	ssyncadd.s32 $0xFFFFFFFF  }
0xb8: {  	_ =	strace $0x90000048  }
0xb9: {  	_ =	sfence  }
0xba: {  	s30 =	sld [smem:$0x0];
	_ =	sdelay $0x2  }
0xbb: {  	s31 =	sshll.u32 s1, $0xD;
	s1 =	sshrl.u32 s1, $0x2  }
0xbc: {  	s3 =	sand.u32 $0x4000, s31;
	s1 =	sadd.s32 s1, s30  }
0xbd: {  	s0 =	sor.u32 s3, s0;
	s1 =	sshll.u32 s1, $0x11  }
0xbe: {  	s0 =	sor.u32 s1, s0  }
0xbf: {  	s0 =	sadd.s32 $0x8F2B, s0  }
0xc0: {  	[sflag:s0] =	ssyncadd.remote.s32 $0x1  }
0xc1: {  	_ =	sfence.sel $0xFFFF  }
0xc2: {  	[dreg:$0x0] =	wrdreg $0xFFFFFFFF;
	(pc) =	sbr.abs _section_cstart, $3  }
0xc3: {  	[dreg:$0x1] =	wrdreg $0xFFFFFFFF  }
0xc4: {  	_ =	task.clear_ibuf [dreg:s9], $0x2FFFF;
	_ =	strace $0x9FFFFFFF  }
0xc5: {  	(tm) =	ssettm $0x7FFFFFFF  }
tec
execute0_lowered:
.L_overlay_start_1:
0x0: {  	(tag) =	ssettag $0x1  }
0x1: {  	v0 =	vimm.f32 $3.651741150e-01;
	vm0 =	vcmask $0x700  }
0x2: {  	vm6 =	vcmask $0xF08;
	vm7 =	vcmask $0x1710;
	vm8 =	vcmask $0x1F18  }
0x3: {  	s4 =	rddreg [dreg:$0x0];
	vm9 =	vcmask $0x2720;
	vm10 =	vcmask $0x2F28;
	v1 =	vimm.f32 $-1.000000000e+00  }
0x4: {  	s0 =	rddreg [dreg:$0x1];
	vm1 =	vcmask $0x300;
	vm11 =	vcmask $0xB08;
	vm2 =	vcmask $0x3730  }
0x5: {  	s5 =	rddreg [dreg:$0x2];
	s3 =	srdreg.scid;
	vm3 =	vcmask $0x1310;
	vm12 =	vcmask $0x1B18;
	v2 =	vimm.f32 $1.000000000e+00  }
0x6: {  	s1 =	rddreg [dreg:$0x3];
	s2 =	stileid.u32;
	v3 =	vimm.f32 $0.0e+00;
	vm4 =	vcmask $0x2320;
	vm13 =	vcmask $0x2B28;
	s10 =	simm.s32 $0x3  }
0x7: {  	s11 =	simm.s32 $0x80;
	s12 =	simm.s32 $0x4200;
	vm14 =	vcmask $0x3330;
	vm15 =	vcmask $0x3B38;
	s17 =	simm.s32 $0x180;
	v0 =	vsel vm0, $0x3F800000, v0  }
0x8: {  	s18 =	simm.s32 $0x0;
	s13 =	sand.u32 $0x1, s3;
	v1 =	vsel vm1, $0x3F800000, v1;
	s3 =	simm.s32 $0x0;
	v2 =	vsel vm1, $0x0, v2;
	v3 =	vsel vm1, $0x3F800000, v3  }
0x9: {  	s7 =	sshll.u32 s2, $0x1;
	s14 =	sand.u32 $0x1, s2;
	s15 =	sand.u32 $0x2, s2;
	v0 =	vsel vm6, $0x3F5DAFD7, v0;
	v1 =	vsel vm11, $0x3F800000, v1;
	v2 =	vsel vm11, $0x0, v2  }
0xa: {  	s16 =	sand.u32 $0x4, s2;
	p0 =	slt.u32 s2, $0x8;
	s6 =	ssub.s32 $0x2, s13;
	v3 =	vsel vm11, $0x3F800000, v3;
	v0 =	vsel vm7, $0x3F3FF911, v0;
	v1 =	vsel vm3, $0x3F800000, v1  }
0xb: {  	[smem:$0x7FF] =	sst s3;
	s7 =	sor.u32 s13, s7;
	p1 =	seq.s32 s16, $0x0;
	v2 =	vsel vm3, $0x0, v2;
	v3 =	vsel vm3, $0x3F800000, v3;
	v0 =	vsel vm8, $0x3F263DE0, v0  }
0xc: {  	p2 =	seq.s32 s15, $0x0;
	p3 =	seq.s32 s14, $0x0;
	p4 =	seq.s32 s13, $0x0;
	v1 =	vsel vm12, $0x3F800000, v1;
	v2 =	vsel vm12, $0x0, v2;
	v3 =	vsel vm12, $0x3F800000, v3  }
0xd: {  	s13 =	simm.s32 $0x8200;
	s14 =	simm.s32 $0x1;
	s15 =	simm.s32 $0x2;
	v0 =	vsel vm9, $0x3F0FF59A, v0;
	v1 =	vsel vm4, $0x3F800000, v1;
	v2 =	vsel vm4, $0x0, v2  }
0xe: {  	s16 =	simm.s32 $0x100;
	s8 =	sshrl.u32 s6, $0x1;
	s31 =	sshll.u32 s7, $0xB;
	v3 =	vsel vm4, $0x3F800000, v3;
	v0 =	vsel vm10, $0x3EF953CF, v0;
	v1 =	vsel vm13, $0x3F800000, v1  }
0xf: {  	_ =	strace $0x80000047;
	s30 =	sshll.u32 s7, $0x6;
	s5 =	sadd.s32 s5, s31;
	v2 =	vsel vm13, $0x0, v2;
	v3 =	vsel vm13, $0x3F800000, v3;
	v0 =	vsel vm2, $0x3ED7E89B, v0  }
0x10: {  	s9 =	ssub.s32 s6, s8;
	s4 =	sadd.s32 s4, s30;
	s6 =	sadd.s32 $0x10000, s5;
	v1 =	vsel vm14, $0x3F800000, v1;
	v2 =	vsel vm14, $0x0, v2;
	v3 =	vsel vm14, $0x3F800000, v3  }
0x11: {  	s7 =	sadd.s32 $0x20000, s5;
	s8 =	sadd.s32 $0x30000, s5;
	s9 =	smax.u32 s9, $0x1;
	v1 =	vsel vm15, $0x3F800000, v1;
	v2 =	vsel vm15, $0x0, v2;
	v3 =	vsel vm15, $0x3F800000, v3  }
.LBB2_1:
0x12: {  	[tilespmem:s3], [sflag:$0x3] =	stream.linear.gather [hbm4b:s4+s3], $0x200, $0x38;
	[tilespmem:$0xC200] =	vst v63  }
0x13: {  	_ =	swait.ge [sflag:s10], $0x200  }
0x14: {  	[sflag:s10] =	ssyncset.done $0x0  }
0x15: {  	s19 =	simm.s32 $0x300;
	s20 =	simm.s32 $0x0;
	[sflag:s10] =	ssyncadd.s32 $0xFFFFFE00  }
0x16: {  	v4 =	vmov v0;
	[tilespmem:s12], [sflag:$0x1] =	stream.indirect.gather [hbm4b:s0+s11], $0x80, s3, s11, $0xb8;
	[tilespmem:$0xC200] =	vst v63  }
.LBB2_2:
0x17: {  	v5 =	vmul.f32 v4, v4;
	_ =	sdelay $0x1  }
0x18: {  	v6 =	vmul.f32 $2.755731880e-06, v5;
	_ =	sdelay $0x1  }
0x19: {  	v7 =	vmul.f32 $2.755732000e-07, v5;
	v6 =	vadd.f32 $-1.984127010e-04, v6;
	_ =	sdelay $0x1  }
0x1a: {  	v7 =	vadd.f32 $-2.480158760e-05, v7;
	v6 =	vmul.f32 v6, v5;
	_ =	sdelay $0x1  }
0x1b: {  	v7 =	vmul.f32 v7, v5;
	v6 =	vadd.f32 $8.333333770e-03, v6;
	_ =	sdelay $0x1  }
0x1c: {  	v7 =	vadd.f32 $1.388888920e-03, v7;
	v6 =	vmul.f32 v6, v5;
	_ =	sdelay $0x1  }
0x1d: {  	v7 =	vmul.f32 v7, v5;
	v6 =	vadd.f32 $-1.666666720e-01, v6;
	_ =	sdelay $0x1  }
0x1e: {  	v7 =	vadd.f32 $-4.166666790e-02, v7;
	v6 =	vmul.f32 v6, v5;
	_ =	sdelay $0x1  }
0x1f: {  	v7 =	vmul.f32 v7, v5;
	v6 =	vadd.f32 $1.000000000e+00, v6;
	_ =	sdelay $0x1  }
0x20: {  	v7 =	vadd.f32 $5.000000000e-01, v7;
	v6 =	vmul.f32 v6, v4;
	_ =	sdelay $0x1  }
0x21: {  	v7 =	vmul.f32 v7, v5;
	v6 =	vmul.f32 v1, v6;
	_ =	sdelay $0x1  }
0x22: {  	v5 =	vmul.f32 v6, v7;
	_ =	sdelay $0x1  }
0x23: {  	v8 =	vadd.f32 v6, v6;
	v9 =	vmul.f32 v6, v6;
	v5 =	vadd.f32 v5, v5;
	_ =	sdelay $0x1  }
0x24: {  	v5 =	vsub.f32 v8, v5;
	v8 =	vadd.f32 v9, v9;
	_ =	sdelay $0x1  }
0x25: {  	v8 =	vmul.f32 v5, v8;
	_ =	sdelay $0x1  }
0x26: {  	v9 =	vadd.f32 v5, v5;
	v10 =	vmul.f32 v5, v5;
	v8 =	vadd.f32 v8, v8;
	_ =	sdelay $0x1  }
0x27: {  	v5 =	vsub.f32 v9, v8;
	v8 =	vadd.f32 v10, v10;
	_ =	sdelay $0x1  }
0x28: {  	v9 =	vmul.f32 v5, v8;
	_ =	sdelay $0x1  }
0x29: {  	v10 =	vadd.f32 v5, v5;
	v11 =	vmul.f32 v5, v5;
	v9 =	vadd.f32 v9, v9;
	_ =	sdelay $0x1  }
0x2a: {  	v9 =	vsub.f32 v10, v9;
	v10 =	vadd.f32 v11, v11;
	_ =	sdelay $0x1  }
0x2b: {  	v10 =	vmul.f32 v9, v10;
	_ =	sdelay $0x1  }
0x2c: {  	v11 =	vadd.f32 v9, v9;
	v9 =	vmul.f32 v9, v9;
	v10 =	vadd.f32 v10, v10;
	_ =	sdelay $0x1  }
0x2d: {  	v9 =	vadd.f32 v9, v9;
	v10 =	vsub.f32 v11, v10;
	_ =	sdelay $0x1  }
0x2e: {  	v9 =	vmul.f32 v10, v9;
	_ =	sdelay $0x1  }
0x2f: {  	v11 =	vadd.f32 v10, v10;
	v10 =	vmul.f32 v10, v10;
	v9 =	vadd.f32 v9, v9;
	_ =	sdelay $0x1  }
0x30: {  	v10 =	vadd.f32 v10, v10;
	v9 =	vsub.f32 v11, v9;
	_ =	sdelay $0x1  }
0x31: {  	v10 =	vmul.f32 v9, v10;
	_ =	sdelay $0x1  }
0x32: {  	v11 =	vadd.f32 v9, v9;
	v9 =	vmul.f32 v9, v9;
	v10 =	vadd.f32 v10, v10;
	_ =	sdelay $0x1  }
0x33: {  	v9 =	vadd.f32 v9, v9;
	v10 =	vsub.f32 v11, v10;
	_ =	sdelay $0x1  }
0x34: {  	v9 =	vmul.f32 v10, v9  }
0x35: {  	v11 =	vmul.f32 v10, v10  }
0x36: {  	v10 =	vadd.f32 v10, v10;
	v9 =	vadd.f32 v9, v9  }
0x37: {  	v11 =	vadd.f32 v11, v11  }
0x38: {  	v9 =	vsub.f32 v10, v9  }
0x39: {  	v10 =	vmul.f32 v2, v11  }
0x3a: {  	v13 =	vmul.f32 v3, v11;
	v12 =	vadd.f32 v9, v9  }
0x3b: {  	v11 =	vmul.f32 v9, v11;
	v10 =	vsub.f32 v2, v10;
	v14 =	vmul.f32 v3, v9  }
0x3c: {  	v15 =	vmul.f32 v9, v9;
	v13 =	vsub.f32 v3, v13;
	v9 =	vmul.f32 v2, v9  }
0x3d: {  	v11 =	vadd.f32 v11, v11;
	v10 =	vadd.f32 v14, v10  }
0x3e: {  	v14 =	vadd.f32 v15, v15;
	v9 =	vsub.f32 v13, v9  }
0x3f: {  	v11 =	vsub.f32 v12, v11;
	v10 =	vpsel p4, v2, v10  }
0x40: {  	v9 =	vpsel p4, v3, v9;
	v12 =	vmul.f32 v10, v14  }
0x41: {  	v15 =	vmul.f32 v9, v14;
	v13 =	vadd.f32 v11, v11  }
0x42: {  	v14 =	vmul.f32 v11, v14;
	v16 =	vmul.f32 v11, v9;
	v12 =	vsub.f32 v10, v12  }
0x43: {  	v17 =	vmul.f32 v11, v11;
	v11 =	vmul.f32 v11, v10;
	v15 =	vsub.f32 v9, v15  }
0x44: {  	v14 =	vadd.f32 v14, v14;
	v12 =	vadd.f32 v12, v16  }
0x45: {  	v16 =	vadd.f32 v17, v17;
	v11 =	vsub.f32 v15, v11  }
0x46: {  	v13 =	vsub.f32 v13, v14;
	v10 =	vpsel p3, v10, v12  }
0x47: {  	v9 =	vpsel p3, v9, v11;
	v11 =	vmul.f32 v10, v16  }
0x48: {  	v12 =	vadd.f32 v13, v13;
	v14 =	vmul.f32 v9, v16  }
0x49: {  	v15 =	vmul.f32 v13, v16;
	v16 =	vmul.f32 v9, v13;
	v11 =	vsub.f32 v10, v11  }
0x4a: {  	v17 =	vmul.f32 v13, v13;
	v13 =	vmul.f32 v10, v13;
	v14 =	vsub.f32 v9, v14  }
0x4b: {  	v15 =	vadd.f32 v15, v15;
	v11 =	vadd.f32 v11, v16  }
0x4c: {  	v16 =	vadd.f32 v17, v17;
	v13 =	vsub.f32 v14, v13  }
0x4d: {  	v10 =	vpsel p2, v10, v11;
	v11 =	vsub.f32 v12, v15  }
0x4e: {  	v9 =	vpsel p2, v9, v13;
	v12 =	vmul.f32 v10, v16  }
0x4f: {  	v13 =	vmul.f32 v9, v16;
	v14 =	vmul.f32 v9, v11  }
0x50: {  	v15 =	vmul.f32 v11, v11;
	v17 =	vmul.f32 v10, v11;
	v12 =	vsub.f32 v10, v12  }
0x51: {  	v16 =	vmul.f32 v11, v16;
	v11 =	vadd.f32 v11, v11;
	v13 =	vsub.f32 v9, v13  }
0x52: {  	v12 =	vadd.f32 v12, v14;
	v14 =	vadd.f32 v15, v15  }
0x53: {  	v13 =	vsub.f32 v13, v17;
	v15 =	vadd.f32 v16, v16;
	_ =	sdelay $0x1  }
0x54: {  	v10 =	vpsel p1, v10, v12;
	v9 =	vpsel p1, v9, v13;
	v11 =	vsub.f32 v11, v15  }
0x55: {  	v12 =	vmul.f32 v10, v14;
	v13 =	vmul.f32 v9, v14  }
0x56: {  	v14 =	vmul.f32 v9, v11  }
0x57: {  	v11 =	vmul.f32 v10, v11;
	v12 =	vsub.f32 v10, v12;
	v13 =	vsub.f32 v9, v13;
	_ =	sdelay $0x1  }
0x58: {  	v12 =	vadd.f32 v12, v14;
	v11 =	vsub.f32 v13, v11  }
0x59: {  	v13 =	vsub.f32 $1.000000000e+00, v7  }
0x5a: {  	v12 =	vpsel p0, v10, v12;
	v14 =	vpsel p0, v9, v11  }
0x5b: {  	v7 =	vmul.f32 v12, v13;
	v9 =	vmul.f32 v14, v6  }
0x5c: {  	v10 =	vmul.f32 v14, v13;
	v11 =	vmul.f32 v12, v6;
	_ =	sdelay $0x1  }
0x5d: {  	v15 =	vadd.f32 v9, v7;
	v10 =	vsub.f32 v10, v11;
	_ =	sdelay $0x1  }
0x5e: {  	v7 =	vmul.f32 v15, v13;
	v9 =	vmul.f32 v10, v6  }
0x5f: {  	v11 =	vmul.f32 v10, v13;
	v16 =	vmul.f32 v15, v6  }
0x60: {  	v8 =	vsub.f32 $1.000000000e+00, v8  }
0x61: {  	v20 =	vmul.f32 v12, v5;
	v18 =	vadd.f32 v9, v7;
	v11 =	vsub.f32 v11, v16  }
0x62: {  	v63 =	vmul.f32 v14, v8;
	v19 =	vmul.f32 v15, v5;
	v7 =	vmov s19  }
0x63: {  	v9 =	vmul.f32 v18, v13;
	v16 =	vmul.f32 v11, v6  }
0x64: {  	v13 =	vmul.f32 v11, v13;
	v17 =	vmul.f32 v18, v6  }
0x65: {  	v62 =	vmul.f32 v10, v5;
	v24 =	vmul.f32 v10, v8  }
0x66: {  	s21 =	simm.s32 $0x0;
	v22 =	vmul.f32 v11, v8;
	v6 =	vadd.f32 v16, v9;
	v9 =	vsub.f32 v13, v17  }
0x67: {  	v23 =	vmul.f32 v18, v5;
	[tilespmem:v7+s21+$0xFFFFFF80 ss:$0x1] =	vst.idx.msk $0xffff, v15;
	v15 =	vmul.f32 v15, v8  }
0x68: {  	v13 =	vmul.f32 v6, v5;
	v16 =	vmul.f32 v9, v8  }
0x69: {  	v10 =	vsub.f32 v22, v23;
	v17 =	vmul.f32 v6, v8;
	v21 =	vmul.f32 v9, v5  }
0x6a: {  	v9 =	vsub.f32 v16, v13;
	v13 =	vmul.f32 v18, v8;
	v16 =	vmul.f32 v11, v5  }
0x6b: {  	[tilespmem:v7+s21+$0xFFFFFF00 ss:$0x1] =	vst.idx.msk $0xffff, v12;
	v15 =	vadd.f32 v62, v15;
	v11 =	vadd.f32 v21, v17  }
0x6c: {  	v17 =	vmul.f32 v14, v5;
	v13 =	vadd.f32 v16, v13;
	v16 =	vmul.f32 v12, v8  }
0x6d: {  	s22 =	simm.s32 $0x800;
	[tilespmem:v7+s21+$0x0 ss:$0x1] =	vst.idx.msk $0xffff, v18;
	v14 =	vsub.f32 v24, v19;
	v12 =	vsub.f32 v63, v20  }
.LBB2_3:
0x6e: {  	p5 =	sne.s32 s22, $0xF800;
	v16 =	vadd.f32 v17, v16;
	[tilespmem:v7+s21+$0x80 ss:$0x1] =	vst.idx.msk $0xffff, v6;
	v6 =	vmov v11;
	v18 =	vmov v13;
	s21 =	smov.u32 s22;
	s22 =	sadd.s32 $0x800, s22  }
0x6f: {  	v17 =	vmul.f32 v11, v5;
	s21 =	sshra.s32 s21, $0x2;
	v19 =	vmul.f32 v15, v5  }
0x70: {  	v21 =	vmul.f32 v9, v8;
	[tilespmem:v7+s21+$0xFFFFFF00 ss:$0x1] =	vst.idx.msk $0xffff, v16;
	v20 =	vmul.f32 v16, v5  }
0x71: {  	v11 =	vmul.f32 v11, v8;
	v22 =	vmul.f32 v9, v5;
	[tilespmem:v7+s21+$0xFFFFFF80 ss:$0x1] =	vst.idx.msk $0xffff, v15  }
0x72: {  	v23 =	vmul.f32 v10, v8;
	v24 =	vmul.f32 v13, v5;
	v9 =	vsub.f32 v21, v17  }
.Ltmp0:
0x73: {  	v13 =	vmul.f32 v13, v8;
	v17 =	vmul.f32 v10, v5;
	v11 =	vadd.f32 v22, v11;
	(pc) =	sbr.rel @p5 .LBB2_3-.Ltmp0, $4  }
0x74: {  	v21 =	vmul.f32 v14, v5;
	v14 =	vmul.f32 v14, v8;
	v10 =	vsub.f32 v23, v24  }
0x75: {  	v22 =	vmul.f32 v12, v8;
	v15 =	vmul.f32 v15, v8;
	v13 =	vadd.f32 v17, v13  }
0x76: {  	v16 =	vmul.f32 v16, v8;
	v17 =	vmul.f32 v12, v5;
	v14 =	vsub.f32 v14, v19  }
0x77: {  	v12 =	vsub.f32 v22, v20;
	v15 =	vadd.f32 v21, v15;
	[tilespmem:v7+s21+$0x0 ss:$0x1] =	vst.idx.msk $0xffff, v18  }
0x78: {  	s20 =	sadd.s32 $0x1, s20  }
0x79: {  	p5 =	sne.s32 s20, $0x8  }
.Ltmp1:
0x7a: {  	_ = 	snop;
	(pc) =	sbr.rel @p5 .LBB2_2-.Ltmp1, $3  }
0x7b: {  	_ =	sdelay $0x1  }
0x7c: {  	v4 =	vmul.f32 $3.162277640e-01, v4  }
0x7d: {  	[tilespmem:v7+s21+$0x80 ss:$0x1] =	vst.idx.msk $0xffff, v6;
	s19 =	sadd.s32 $0x10, s19  }
0x7e: {  	[tilespmem:s13], [sflag:$0x1] =	stream.indirect.gather [hbm4b:s0+s11], $0x80, s11, s11, $0xb8;
	[tilespmem:$0xC200] =	vst v63  }
0x7f: {  	_ =	swait.ge [sflag:s14], $0x4000  }
0x80: {  	[sflag:s14] =	ssyncset.done $0x0  }
0x81: {  	s19 =	simm.s32 $0x0;
	s20 =	simm.s32 $0x200;
	[sflag:s14] =	ssyncadd.s32 $0xFFFFC000  }
.LBB2_6:
0x82: {  	p5 =	sne.s32 s20, $0xFE00;
	v4 =	vld [tilespmem:s19+$0x270]  }
0x83: {  	v5 =	vld [tilespmem:s19+$0x200]  }
0x84: {  	v6 =	vld [tilespmem:s19+$0x210]  }
0x85: {  	v7 =	vld [tilespmem:s19+$0x220]  }
0x86: {  	v8 =	vld [tilespmem:s19+$0x230]  }
0x87: {  	[tilespmem:s19+$0x4270] =	vst.add.f32.msk $0xffff, v4  }
0x88: {  	v4 =	vld [tilespmem:s19+$0x240]  }
0x89: {  	v9 =	vld [tilespmem:s19+$0x250]  }
0x8a: {  	v10 =	vld [tilespmem:s19+$0x260]  }
0x8b: {  	[tilespmem:s19+$0x4200] =	vst.add.f32.msk $0xffff, v5  }
0x8c: {  	[tilespmem:s19+$0x4210] =	vst.add.f32.msk $0xffff, v6  }
.Ltmp2:
0x8d: {  	[tilespmem:s19+$0x4220] =	vst.add.f32.msk $0xffff, v7;
	(pc) =	sbr.rel @p5 .LBB2_6-.Ltmp2, $4  }
0x8e: {  	[tilespmem:s19+$0x4230] =	vst.add.f32.msk $0xffff, v8  }
0x8f: {  	[tilespmem:s19+$0x4240] =	vst.add.f32.msk $0xffff, v4  }
0x90: {  	[tilespmem:s19+$0x4250] =	vst.add.f32.msk $0xffff, v9  }
0x91: {  	[tilespmem:s19+$0x4260] =	vst.add.f32.msk $0xffff, v10;
	s19 =	sshra.s32 s20, $0x2;
	s20 =	sadd.s32 $0x200, s20  }
0x92: {  	v4 =	vld [tilespmem:s19+$0x270]  }
0x93: {  	v5 =	vld [tilespmem:s19+$0x200]  }
0x94: {  	v6 =	vld [tilespmem:s19+$0x210]  }
0x95: {  	v7 =	vld [tilespmem:s19+$0x220]  }
0x96: {  	v8 =	vld [tilespmem:s19+$0x230]  }
0x97: {  	v9 =	vld [tilespmem:s19+$0x250]  }
0x98: {  	v10 =	vld [tilespmem:s19+$0x260]  }
0x99: {  	[tilespmem:s19+$0x4270] =	vst.add.f32.msk $0xffff, v4  }
0x9a: {  	v4 =	vld [tilespmem:s19+$0x240]  }
0x9b: {  	[tilespmem:s19+$0x4200] =	vst.add.f32.msk $0xffff, v5  }
0x9c: {  	[tilespmem:s19+$0x4210] =	vst.add.f32.msk $0xffff, v6  }
0x9d: {  	[tilespmem:s19+$0x4220] =	vst.add.f32.msk $0xffff, v7  }
0x9e: {  	[tilespmem:s19+$0x4230] =	vst.add.f32.msk $0xffff, v8  }
0x9f: {  	[tilespmem:s19+$0x4250] =	vst.add.f32.msk $0xffff, v9  }
0xa0: {  	[tilespmem:s19+$0x4260] =	vst.add.f32.msk $0xffff, v10  }
0xa1: {  	s31 =	simm.s32 $0x0;
	[tilespmem:s19+$0x4240] =	vst.add.f32.msk $0xffff, v4  }
0xa2: {  	[hbm4b:s5+s31] =	stream.linear.scatter [tilespmem:s12], [sflag:$0x2], $0x4000, $0x38;
	[tilespmem:$0xC200] =	vst v63  }
0xa3: {  	_ =	swait.ge [sflag:s15], $0x4000  }
0xa4: {  	[sflag:s15] =	ssyncset.done $0x0  }
0xa5: {  	[sflag:s15] =	ssyncadd.s32 $0xFFFFC000  }
0xa6: {  	[tilespmem:s12], [sflag:$0x1] =	stream.indirect.gather [hbm4b:s0+s11], $0x80, s16, s11, $0xb8;
	[tilespmem:$0xC200] =	vst v63  }
0xa7: {  	_ =	swait.ge [sflag:s14], $0x4000  }
0xa8: {  	[sflag:s14] =	ssyncset.done $0x0  }
0xa9: {  	s20 =	simm.s32 $0x200;
	s19 =	simm.s32 $0x0;
	[sflag:s14] =	ssyncadd.s32 $0xFFFFC000  }
.LBB2_8:
0xaa: {  	p5 =	sne.s32 s20, $0xFE00;
	v4 =	vld [tilespmem:s19+$0x270]  }
0xab: {  	v5 =	vld [tilespmem:s19+$0x200]  }
0xac: {  	v6 =	vld [tilespmem:s19+$0x210]  }
0xad: {  	v7 =	vld [tilespmem:s19+$0x220]  }
0xae: {  	v8 =	vld [tilespmem:s19+$0x230]  }
0xaf: {  	[tilespmem:s19+$0x8270] =	vst.add.f32.msk $0xffff, v4  }
0xb0: {  	v4 =	vld [tilespmem:s19+$0x240]  }
0xb1: {  	v9 =	vld [tilespmem:s19+$0x250]  }
0xb2: {  	v10 =	vld [tilespmem:s19+$0x260]  }
0xb3: {  	[tilespmem:s19+$0x8200] =	vst.add.f32.msk $0xffff, v5  }
0xb4: {  	[tilespmem:s19+$0x8210] =	vst.add.f32.msk $0xffff, v6  }
.Ltmp3:
0xb5: {  	[tilespmem:s19+$0x8220] =	vst.add.f32.msk $0xffff, v7;
	(pc) =	sbr.rel @p5 .LBB2_8-.Ltmp3, $4  }
0xb6: {  	[tilespmem:s19+$0x8230] =	vst.add.f32.msk $0xffff, v8  }
0xb7: {  	[tilespmem:s19+$0x8240] =	vst.add.f32.msk $0xffff, v4  }
0xb8: {  	[tilespmem:s19+$0x8250] =	vst.add.f32.msk $0xffff, v9  }
0xb9: {  	[tilespmem:s19+$0x8260] =	vst.add.f32.msk $0xffff, v10;
	s19 =	sshra.s32 s20, $0x2;
	s20 =	sadd.s32 $0x200, s20  }
0xba: {  	v4 =	vld [tilespmem:s19+$0x270]  }
0xbb: {  	v5 =	vld [tilespmem:s19+$0x200]  }
0xbc: {  	v6 =	vld [tilespmem:s19+$0x210]  }
0xbd: {  	v7 =	vld [tilespmem:s19+$0x220]  }
0xbe: {  	v8 =	vld [tilespmem:s19+$0x230]  }
0xbf: {  	v9 =	vld [tilespmem:s19+$0x250]  }
0xc0: {  	v10 =	vld [tilespmem:s19+$0x260]  }
0xc1: {  	[tilespmem:s19+$0x8270] =	vst.add.f32.msk $0xffff, v4  }
0xc2: {  	v4 =	vld [tilespmem:s19+$0x240]  }
0xc3: {  	[tilespmem:s19+$0x8200] =	vst.add.f32.msk $0xffff, v5  }
0xc4: {  	[tilespmem:s19+$0x8210] =	vst.add.f32.msk $0xffff, v6  }
0xc5: {  	[tilespmem:s19+$0x8220] =	vst.add.f32.msk $0xffff, v7  }
0xc6: {  	[tilespmem:s19+$0x8230] =	vst.add.f32.msk $0xffff, v8  }
0xc7: {  	[tilespmem:s19+$0x8250] =	vst.add.f32.msk $0xffff, v9  }
0xc8: {  	[tilespmem:s19+$0x8260] =	vst.add.f32.msk $0xffff, v10  }
0xc9: {  	s31 =	simm.s32 $0x0;
	[tilespmem:s19+$0x8240] =	vst.add.f32.msk $0xffff, v4  }
0xca: {  	[hbm4b:s6+s31] =	stream.linear.scatter [tilespmem:s13], [sflag:$0x2], $0x4000, $0x38;
	[tilespmem:$0xC200] =	vst v63  }
0xcb: {  	_ =	swait.ge [sflag:s15], $0x4000  }
0xcc: {  	[sflag:s15] =	ssyncset.done $0x0  }
0xcd: {  	[sflag:s15] =	ssyncadd.s32 $0xFFFFC000  }
0xce: {  	[tilespmem:s13], [sflag:$0x1] =	stream.indirect.gather [hbm4b:s0+s11], $0x80, s17, s11, $0xb8;
	[tilespmem:$0xC200] =	vst v63  }
0xcf: {  	_ =	swait.ge [sflag:s14], $0x4000  }
0xd0: {  	[sflag:s14] =	ssyncset.done $0x0  }
0xd1: {  	s20 =	simm.s32 $0x200;
	s19 =	simm.s32 $0x0;
	[sflag:s14] =	ssyncadd.s32 $0xFFFFC000  }
.LBB2_10:
0xd2: {  	p5 =	sne.s32 s20, $0xFE00;
	v4 =	vld [tilespmem:s19+$0x270]  }
0xd3: {  	v5 =	vld [tilespmem:s19+$0x200]  }
0xd4: {  	v6 =	vld [tilespmem:s19+$0x210]  }
0xd5: {  	v7 =	vld [tilespmem:s19+$0x220]  }
0xd6: {  	v8 =	vld [tilespmem:s19+$0x230]  }
0xd7: {  	[tilespmem:s19+$0x4270] =	vst.add.f32.msk $0xffff, v4  }
0xd8: {  	v4 =	vld [tilespmem:s19+$0x240]  }
0xd9: {  	v9 =	vld [tilespmem:s19+$0x250]  }
0xda: {  	v10 =	vld [tilespmem:s19+$0x260]  }
0xdb: {  	[tilespmem:s19+$0x4200] =	vst.add.f32.msk $0xffff, v5  }
0xdc: {  	[tilespmem:s19+$0x4210] =	vst.add.f32.msk $0xffff, v6  }
.Ltmp4:
0xdd: {  	[tilespmem:s19+$0x4220] =	vst.add.f32.msk $0xffff, v7;
	(pc) =	sbr.rel @p5 .LBB2_10-.Ltmp4, $4  }
0xde: {  	[tilespmem:s19+$0x4230] =	vst.add.f32.msk $0xffff, v8  }
0xdf: {  	[tilespmem:s19+$0x4240] =	vst.add.f32.msk $0xffff, v4  }
0xe0: {  	[tilespmem:s19+$0x4250] =	vst.add.f32.msk $0xffff, v9  }
0xe1: {  	[tilespmem:s19+$0x4260] =	vst.add.f32.msk $0xffff, v10;
	s19 =	sshra.s32 s20, $0x2;
	s20 =	sadd.s32 $0x200, s20  }
0xe2: {  	v4 =	vld [tilespmem:s19+$0x270]  }
0xe3: {  	v5 =	vld [tilespmem:s19+$0x200]  }
0xe4: {  	v6 =	vld [tilespmem:s19+$0x210]  }
0xe5: {  	v7 =	vld [tilespmem:s19+$0x220]  }
0xe6: {  	v8 =	vld [tilespmem:s19+$0x230]  }
0xe7: {  	v9 =	vld [tilespmem:s19+$0x250]  }
0xe8: {  	v10 =	vld [tilespmem:s19+$0x260]  }
0xe9: {  	[tilespmem:s19+$0x4270] =	vst.add.f32.msk $0xffff, v4  }
0xea: {  	v4 =	vld [tilespmem:s19+$0x240]  }
0xeb: {  	[tilespmem:s19+$0x4200] =	vst.add.f32.msk $0xffff, v5  }
0xec: {  	[tilespmem:s19+$0x4210] =	vst.add.f32.msk $0xffff, v6  }
0xed: {  	[tilespmem:s19+$0x4220] =	vst.add.f32.msk $0xffff, v7  }
0xee: {  	[tilespmem:s19+$0x4230] =	vst.add.f32.msk $0xffff, v8  }
0xef: {  	[tilespmem:s19+$0x4250] =	vst.add.f32.msk $0xffff, v9  }
0xf0: {  	[tilespmem:s19+$0x4260] =	vst.add.f32.msk $0xffff, v10  }
0xf1: {  	s31 =	simm.s32 $0x0;
	[tilespmem:s19+$0x4240] =	vst.add.f32.msk $0xffff, v4  }
0xf2: {  	[hbm4b:s7+s31] =	stream.linear.scatter [tilespmem:s12], [sflag:$0x2], $0x4000, $0x38;
	[tilespmem:$0xC200] =	vst v63  }
0xf3: {  	_ =	swait.ge [sflag:s14], $0x4000  }
0xf4: {  	[sflag:s14] =	ssyncset.done $0x0  }
0xf5: {  	s20 =	simm.s32 $0x200;
	s19 =	simm.s32 $0x0;
	[sflag:s14] =	ssyncadd.s32 $0xFFFFC000  }
.LBB2_12:
0xf6: {  	p5 =	sne.s32 s20, $0xFE00;
	v4 =	vld [tilespmem:s19+$0x270]  }
0xf7: {  	v5 =	vld [tilespmem:s19+$0x200]  }
0xf8: {  	v6 =	vld [tilespmem:s19+$0x210]  }
0xf9: {  	v7 =	vld [tilespmem:s19+$0x220]  }
0xfa: {  	v8 =	vld [tilespmem:s19+$0x230]  }
0xfb: {  	[tilespmem:s19+$0x8270] =	vst.add.f32.msk $0xffff, v4  }
0xfc: {  	v4 =	vld [tilespmem:s19+$0x240]  }
0xfd: {  	v9 =	vld [tilespmem:s19+$0x250]  }
0xfe: {  	v10 =	vld [tilespmem:s19+$0x260]  }
0xff: {  	[tilespmem:s19+$0x8200] =	vst.add.f32.msk $0xffff, v5  }
0x100: {  	[tilespmem:s19+$0x8210] =	vst.add.f32.msk $0xffff, v6  }
.Ltmp5:
0x101: {  	[tilespmem:s19+$0x8220] =	vst.add.f32.msk $0xffff, v7;
	(pc) =	sbr.rel @p5 .LBB2_12-.Ltmp5, $4  }
0x102: {  	[tilespmem:s19+$0x8230] =	vst.add.f32.msk $0xffff, v8  }
0x103: {  	[tilespmem:s19+$0x8240] =	vst.add.f32.msk $0xffff, v4  }
0x104: {  	[tilespmem:s19+$0x8250] =	vst.add.f32.msk $0xffff, v9  }
0x105: {  	[tilespmem:s19+$0x8260] =	vst.add.f32.msk $0xffff, v10;
	s19 =	sshra.s32 s20, $0x2;
	s20 =	sadd.s32 $0x200, s20  }
0x106: {  	v4 =	vld [tilespmem:s19+$0x270]  }
0x107: {  	v5 =	vld [tilespmem:s19+$0x200]  }
0x108: {  	v6 =	vld [tilespmem:s19+$0x210]  }
0x109: {  	v7 =	vld [tilespmem:s19+$0x220]  }
0x10a: {  	v8 =	vld [tilespmem:s19+$0x230]  }
0x10b: {  	v9 =	vld [tilespmem:s19+$0x250]  }
0x10c: {  	v10 =	vld [tilespmem:s19+$0x260]  }
0x10d: {  	[tilespmem:s19+$0x8270] =	vst.add.f32.msk $0xffff, v4  }
0x10e: {  	v4 =	vld [tilespmem:s19+$0x240]  }
0x10f: {  	[tilespmem:s19+$0x8200] =	vst.add.f32.msk $0xffff, v5  }
0x110: {  	[tilespmem:s19+$0x8210] =	vst.add.f32.msk $0xffff, v6  }
0x111: {  	[tilespmem:s19+$0x8220] =	vst.add.f32.msk $0xffff, v7  }
0x112: {  	[tilespmem:s19+$0x8230] =	vst.add.f32.msk $0xffff, v8  }
0x113: {  	[tilespmem:s19+$0x8250] =	vst.add.f32.msk $0xffff, v9  }
0x114: {  	[tilespmem:s19+$0x8260] =	vst.add.f32.msk $0xffff, v10  }
0x115: {  	s18 =	sadd.s32 $0x1, s18;
	[tilespmem:s19+$0x8240] =	vst.add.f32.msk $0xffff, v4  }
0x116: {  	[hbm4b:s8+s3] =	stream.linear.scatter [tilespmem:s13], [sflag:$0x2], $0x4000, $0x38;
	[tilespmem:$0xC200] =	vst v63  }
0x117: {  	p5 =	sne.s32 s18, s9;
	_ =	swait.ge [sflag:s15], $0x4000  }
.Ltmp6:
0x118: {  	[sflag:s15] =	ssyncset.done $0x0;
	(pc) =	sbr.rel @p5 .LBB2_1-.Ltmp6, $4  }
0x119: {  	[sflag:s15] =	ssyncadd.s32 $0xFFFFC000  }
0x11a: {  	_ =	swait.ge [sflag:s15], $0x4000  }
0x11b: {  	[sflag:s15] =	ssyncset.done $0x0  }
0x11c: {  	[sflag:s15] =	ssyncadd.s32 $0xFFFFC000  }
0x11d: {  	_ =	sfence.sel $0x180000  }
0x11e: {  	[bflag:$0x0] =	sbarrier.arrive $0xFFFF  }
0x11f: {  	p0 =	sne.s32 s2, $0x0;
	_ =	strace $0x90000047  }
0x120: {  	s0 =	sadd.s32 @!p0 $0x100000, s1;
	[bflag:$0x2] =	sbarrier.arrive $0xFFFF  }
0x121: {  	[sflag:s0] =	ssyncadd.tile.s32 @!p0 $0x1;
	_ =	shalt  }
.Lfunc_end2:
_tile_overlayer_lowered:
.L_overlay_start_2:
0x122: {  	(tag) =	ssettag $0x2  }
0x123: {  	s0 =	rddreg [dreg:$0x0];
	s2 =	stileid.u32  }
0x124: {  	s1 =	rddreg [dreg:$0x1];
	p0 =	sne.s32 s2, $0x0  }
0x125: {  	s3 =	rddreg [dreg:$0x2];
	[bflag:$0x3] =	sbarrier.arrive $0xFFFF;
	s2 =	simm.s32 @!p0 $0x1C03  }
0x126: {  	[timem:s3], [sflag:s2] =	dma.local @!p0 [hbm:s0], s1  }
0x127: {  	s0 =	simm.s32 @!p0 $0x3  }
0x128: {  	_ =	swait.ge @!p0 [sflag:s0], s1  }
0x129: {  	s1 =	ssub.s32 @!p0 $0x0, s1;
	[sflag:s0] =	ssyncset.done @!p0 $0x0  }
0x12a: {  	[sflag:s0] =	ssyncadd.s32 @!p0 s1  }
0x12b: {  	[bflag:$0x3] =	sbarrier.arrive $0xFFFF  }
0x12c: {  	_ =	shalt  }

</sc_bundles>
